<compile_context>
chip_gen: v7x
topology: tpu7x:2x2x1
jax: 0.10.2.dev20260603
libtpu: 0.0.44.dev20260713+nightly
codegen_flags: <defaults>
</compile_context>

<pallas_src>
import functools

import jax
import jax.numpy as jnp
from jax import lax
from jax.experimental import pallas as pl
from jax.experimental.pallas import tpu as pltpu
from jax.experimental.pallas import tpu_sc as plsc

_NC = 2
_NS = 16
_CHUNK = 128
_G = 2


def _make_sc_agg(N, D, E):
    NW = _NC * _NS
    grp = 2 * _G * _CHUNK
    ept = ((-(-E // NW) + grp - 1) // grp) * grp
    n_chunks = ept // _CHUNK
    n_half = n_chunks // 2
    gph = n_half // _G
    e_pad = ept * NW
    n_acc = -(-(N + 1) // (_NS * 8)) * (_NS * 8)
    rpt = n_acc // _NS

    mesh = plsc.VectorSubcoreMesh(core_axis_name="c", subcore_axis_name="s")

    @functools.partial(
        pl.kernel,
        out_type=jax.ShapeDtypeStruct((_NC, n_acc, D), jnp.float32),
        mesh=mesh,
        scratch_types=[
            pltpu.VMEM((n_half, _CHUNK), jnp.int32),
            pltpu.VMEM((n_half, _CHUNK), jnp.int32),
            pltpu.VMEM((_G, _CHUNK, D), jnp.float32),
            pltpu.VMEM_SHARED((n_acc, D), jnp.float32),
            pltpu.SemaphoreType.DMA,
            pltpu.SemaphoreType.DMA,
        ],
    )
    def agg(x_hbm, row_hbm, col_hbm, zero_hbm, out_hbm, col_v, row_v,
            buf0, acc, sem0, semi):
        c = lax.axis_index("c")
        s = lax.axis_index("s")
        w = c * _NS + s
        cp_c = pltpu.async_copy(col_hbm.at[w, pl.ds(0, n_half)], col_v, semi)
        cp_r = pltpu.async_copy(row_hbm.at[w, pl.ds(0, n_half)], row_v, semi)
        pltpu.sync_copy(zero_hbm, acc.at[pl.ds(s * rpt, rpt)])
        cp_c.wait()
        cp_r.wait()
        plsc.subcore_barrier()

        for h in range(2):
            if h == 1:
                cp_c1 = pltpu.async_copy(
                    col_hbm.at[w, pl.ds(n_half, n_half)], col_v, semi)
                cp_r1 = pltpu.async_copy(
                    row_hbm.at[w, pl.ds(n_half, n_half)], row_v, semi)
                cp_c1.wait()
                cp_r1.wait()

            for b in range(_G):
                pltpu.async_copy(x_hbm.at[col_v.at[b]], buf0.at[b], sem0)

            @pl.loop(0, n_half, step=_G)
            def _grp(k0):
                for b in range(_G):
                    k = k0 + b
                    pltpu.make_async_copy(
                        x_hbm.at[col_v.at[k]], buf0.at[b], sem0).wait()
                    pltpu.sync_copy(
                        buf0.at[b], acc.at[row_v.at[k]], add=True)

                    @pl.when(k + _G < n_half)
                    def _issue():
                        pltpu.async_copy(
                            x_hbm.at[col_v.at[k + _G]], buf0.at[b], sem0)

        plsc.subcore_barrier()
        pltpu.sync_copy(acc.at[pl.ds(s * rpt, rpt)],
                        out_hbm.at[c, pl.ds(s * rpt, rpt)])

    return agg, n_chunks, e_pad, n_acc


def _tc_linear_body(x_ref, p0_ref, p1_ref, w_ref, b_ref, o_ref):
    s = x_ref[...] + p0_ref[...] + p1_ref[...]
    h = lax.dot_general(s, w_ref[...], (((1,), (1,)), ((), ())),
                        preferred_element_type=jnp.float32)
    h = h + b_ref[...]
    o_ref[...] = h * jax.nn.sigmoid(h)


def kernel(x, edge_index, edge_attr, W, b):
    N, D = x.shape
    E = edge_index.shape[1]
    NW = _NC * _NS
    ei = edge_index.astype(jnp.int32)
    row, col = ei[0], ei[1]

    agg_fn, n_chunks, e_pad, n_acc = _make_sc_agg(N, D, E)
    pad = e_pad - E
    n_dummy = n_acc - N
    row_p = jnp.concatenate(
        [row, N + (jnp.arange(pad, dtype=jnp.int32) % n_dummy)])
    row_p = row_p.reshape(NW, n_chunks, _CHUNK)
    col_p = jnp.concatenate(
        [col, jnp.arange(pad, dtype=jnp.int32) % N])
    col_p = col_p.reshape(NW, n_chunks, _CHUNK)
    zeros = jnp.zeros((n_acc // _NS, D), jnp.float32)

    parts = agg_fn(x, row_p, col_p, zeros)
    p0 = parts[0, :N]
    p1 = parts[1, :N]

    RB = 1000
    return pl.pallas_call(
        _tc_linear_body,
        grid=(N // RB,),
        in_specs=[
            pl.BlockSpec((RB, D), lambda i: (i, 0)),
            pl.BlockSpec((RB, D), lambda i: (i, 0)),
            pl.BlockSpec((RB, D), lambda i: (i, 0)),
            pl.BlockSpec((D, D), lambda i: (0, 0)),
            pl.BlockSpec((1, D), lambda i: (0, 0)),
        ],
        out_specs=pl.BlockSpec((RB, D), lambda i: (i, 0)),
        out_shape=jax.ShapeDtypeStruct((N, D), jnp.float32),
    )(x, p0, p1, W, b.reshape(1, D))

# --- scband reference (transcript-rebuilt; emitter-appended) ---
"""Pipeline reference for scband-graph-conv-layer-89567247990813 (READ-ONLY COPY).

The authoritative reference and input builder live on the scoring server;
editing this copy changes nothing except your own understanding.
"""

import jax, jax.numpy as jnp
import numpy as np

N = 10000
E = 320000
D = 128
D_EDGE = 4

def setup_inputs(seed: int = 0) -> dict:
    key = jax.random.key(seed)
    k1, k2, k3, k4, k5 = jax.random.split(key, 5)
    x = jax.random.normal(k1, (N, D), dtype=jnp.float32)
    edge_index = jax.random.randint(k2, (2, E), 0, N, dtype=jnp.int64)
    edge_attr = jax.random.normal(k3, (E, D_EDGE), dtype=jnp.float32)
    # Linear(in_dim=128, out_dim=128) params (torch convention: W [out,in], b [out])
    bound = 1.0 / np.sqrt(D)
    W = jax.random.uniform(k4, (D, D), dtype=jnp.float32, minval=-bound, maxval=bound)
    b = jax.random.uniform(k5, (D,), dtype=jnp.float32, minval=-bound, maxval=bound)
    return {"x": x, "edge_index": edge_index, "edge_attr": edge_attr, "W": W, "b": b}

def reference(x, edge_index, edge_attr, W, b):
    # GraphConvLayer.forward
    row = edge_index[0]
    col = edge_index[1]
    messages = x[col]                         # gather [E, D]
    out = jnp.zeros_like(x).at[row].add(messages)  # scatter-add [N, D]
    h = (x + out) @ W.T + b                   # linear
    return jax.nn.silu(h)                     # SiLU activation

if __name__ == "__main__":
    import jax
    _d = setup_inputs()
    print(jax.jit(kernel)(*tuple(_d.values())))

</pallas_src>

<mosaic_0001>
#map = affine_map<(d0, d1) -> (0, 0)>
#map1 = affine_map<(d0, d1) -> (0, 0, 0)>
module attributes {stable_mosaic.version = 14 : i64} {
  func.func @agg(%arg0: i32, %arg1: i32, %arg2: memref<10000x128xf32, #tpu.memory_space<hbm>>, %arg3: memref<32x80x128xi32, #tpu.memory_space<hbm>>, %arg4: memref<32x80x128xi32, #tpu.memory_space<hbm>>, %arg5: memref<632x128xf32, #tpu.memory_space<hbm>>, %arg6: memref<2x10112x128xf32, #tpu.memory_space<hbm>>, %arg7: memref<40x128xi32, #tpu.memory_space<vmem>>, %arg8: memref<40x128xi32, #tpu.memory_space<vmem>>, %arg9: memref<2x128x128xf32, #tpu.memory_space<vmem>>, %arg10: memref<10112x128xf32, #tpu.memory_space<vmem_shared>>, %arg11: memref<!tpu.dma_semaphore, #tpu.memory_space<semaphore_mem>>, %arg12: memref<!tpu.dma_semaphore, #tpu.memory_space<semaphore_mem>>) attributes {dimension_semantics = [#tpu.dimension_semantics<core_parallel>, #tpu.dimension_semantics<subcore_parallel>], iteration_bounds = array<i64: 2, 16>, scalar_prefetch = 0 : i64, scratch_operands = 6 : i64, tpu.core_type = #tpu.core_type<sc_vector_subcore>, window_params = [{transform_indices = #map}, {transform_indices = #map1}, {transform_indices = #map1}, {transform_indices = #map}, {transform_indices = #map1}]} {
    %mul3A = arith.constant 16 : i32
    %mul3A_0 = arith.muli %arg0, %mul3A : i32
    %add3A = arith.addi %mul3A_0, %arg1 : i32
    %dma_start3A = arith.constant 0 : i32
    %dma_start3A_1 = arith.constant 0 : i32
    %dma_start3A_2 = tpu.memref_slice %arg4[%add3A, %dma_start3A, %dma_start3A_1] : memref<32x80x128xi32, #tpu.memory_space<hbm>> -> memref<1x40x128xi32, #tpu.memory_space<hbm>>
    %dma_start3A_3 = tpu.memref_squeeze %dma_start3A_2 : memref<1x40x128xi32, #tpu.memory_space<hbm>> -> memref<40x128xi32, #tpu.memory_space<hbm>>
    %dma_start3A_4 = arith.constant 0 : i32
    %dma_start3A_5 = arith.constant 0 : i32
    %dma_start3A_6 = tpu.memref_slice %arg4[%add3A, %dma_start3A_4, %dma_start3A_5] : memref<32x80x128xi32, #tpu.memory_space<hbm>> -> memref<1x40x128xi32, #tpu.memory_space<hbm>>
    %dma_start3A_7 = tpu.memref_squeeze %dma_start3A_6 : memref<1x40x128xi32, #tpu.memory_space<hbm>> -> memref<40x128xi32, #tpu.memory_space<hbm>>
    tpu.enqueue_dma source(%dma_start3A_7 : memref<40x128xi32, #tpu.memory_space<hbm>>) target(%arg7 : memref<40x128xi32, #tpu.memory_space<vmem>>) target_semaphore(%arg12 : memref<!tpu.dma_semaphore, #tpu.memory_space<semaphore_mem>>)
    %dma_start3A_8 = arith.constant 0 : i32
    %dma_start3A_9 = arith.constant 0 : i32
    %dma_start3A_10 = tpu.memref_slice %arg3[%add3A, %dma_start3A_8, %dma_start3A_9] : memref<32x80x128xi32, #tpu.memory_space<hbm>> -> memref<1x40x128xi32, #tpu.memory_space<hbm>>
    %dma_start3A_11 = tpu.memref_squeeze %dma_start3A_10 : memref<1x40x128xi32, #tpu.memory_space<hbm>> -> memref<40x128xi32, #tpu.memory_space<hbm>>
    %dma_start3A_12 = arith.constant 0 : i32
    %dma_start3A_13 = arith.constant 0 : i32
    %dma_start3A_14 = tpu.memref_slice %arg3[%add3A, %dma_start3A_12, %dma_start3A_13] : memref<32x80x128xi32, #tpu.memory_space<hbm>> -> memref<1x40x128xi32, #tpu.memory_space<hbm>>
    %dma_start3A_15 = tpu.memref_squeeze %dma_start3A_14 : memref<1x40x128xi32, #tpu.memory_space<hbm>> -> memref<40x128xi32, #tpu.memory_space<hbm>>
    tpu.enqueue_dma source(%dma_start3A_15 : memref<40x128xi32, #tpu.memory_space<hbm>>) target(%arg8 : memref<40x128xi32, #tpu.memory_space<vmem>>) target_semaphore(%arg12 : memref<!tpu.dma_semaphore, #tpu.memory_space<semaphore_mem>>)
    %mul3A_16 = arith.constant 632 : i32
    %mul3A_17 = arith.muli %arg1, %mul3A_16 : i32
    "tpu.region"() ({
      %run_scoped3A = tpu.sem_alloc : memref<!tpu.dma_semaphore, #tpu.memory_space<semaphore_mem>>
      %dma_start3A_127 = arith.constant 0 : i32
      %dma_start3A_128 = tpu.memref_slice %arg10[%mul3A_17, %dma_start3A_127] : memref<10112x128xf32, #tpu.memory_space<vmem_shared>> -> memref<632x128xf32, #tpu.memory_space<vmem_shared>>
      tpu.enqueue_dma source(%arg5 : memref<632x128xf32, #tpu.memory_space<hbm>>) target(%dma_start3A_128 : memref<632x128xf32, #tpu.memory_space<vmem_shared>>) target_semaphore(%run_scoped3A : memref<!tpu.dma_semaphore, #tpu.memory_space<semaphore_mem>>)
      %dma_wait3A_129 = arith.constant 0 : i32
      %dma_wait3A_130 = tpu.memref_slice %arg10[%mul3A_17, %dma_wait3A_129] : memref<10112x128xf32, #tpu.memory_space<vmem_shared>> -> memref<632x128xf32, #tpu.memory_space<vmem_shared>>
      tpu.wait_dma2 semaphore(%run_scoped3A : memref<!tpu.dma_semaphore, #tpu.memory_space<semaphore_mem>>) src(%arg5 : memref<632x128xf32, #tpu.memory_space<hbm>>) dst(%dma_wait3A_130 : memref<632x128xf32, #tpu.memory_space<vmem_shared>>)
      tpu.yield
    }) : () -> ()
    %dma_wait3A = arith.constant 0 : i32
    %dma_wait3A_18 = arith.constant 0 : i32
    %dma_wait3A_19 = tpu.memref_slice %arg4[%add3A, %dma_wait3A, %dma_wait3A_18] : memref<32x80x128xi32, #tpu.memory_space<hbm>> -> memref<1x40x128xi32, #tpu.memory_space<hbm>>
    %dma_wait3A_20 = tpu.memref_squeeze %dma_wait3A_19 : memref<1x40x128xi32, #tpu.memory_space<hbm>> -> memref<40x128xi32, #tpu.memory_space<hbm>>
    %dma_wait3A_21 = arith.constant 0 : i32
    %dma_wait3A_22 = arith.constant 0 : i32
    %dma_wait3A_23 = tpu.memref_slice %arg4[%add3A, %dma_wait3A_21, %dma_wait3A_22] : memref<32x80x128xi32, #tpu.memory_space<hbm>> -> memref<1x40x128xi32, #tpu.memory_space<hbm>>
    %dma_wait3A_24 = tpu.memref_squeeze %dma_wait3A_23 : memref<1x40x128xi32, #tpu.memory_space<hbm>> -> memref<40x128xi32, #tpu.memory_space<hbm>>
    tpu.wait_dma2 semaphore(%arg12 : memref<!tpu.dma_semaphore, #tpu.memory_space<semaphore_mem>>) src(%dma_wait3A_24 : memref<40x128xi32, #tpu.memory_space<hbm>>) dst(%arg7 : memref<40x128xi32, #tpu.memory_space<vmem>>)
    %dma_wait3A_25 = arith.constant 0 : i32
    %dma_wait3A_26 = arith.constant 0 : i32
    %dma_wait3A_27 = tpu.memref_slice %arg3[%add3A, %dma_wait3A_25, %dma_wait3A_26] : memref<32x80x128xi32, #tpu.memory_space<hbm>> -> memref<1x40x128xi32, #tpu.memory_space<hbm>>
    %dma_wait3A_28 = tpu.memref_squeeze %dma_wait3A_27 : memref<1x40x128xi32, #tpu.memory_space<hbm>> -> memref<40x128xi32, #tpu.memory_space<hbm>>
    %dma_wait3A_29 = arith.constant 0 : i32
    %dma_wait3A_30 = arith.constant 0 : i32
    %dma_wait3A_31 = tpu.memref_slice %arg3[%add3A, %dma_wait3A_29, %dma_wait3A_30] : memref<32x80x128xi32, #tpu.memory_space<hbm>> -> memref<1x40x128xi32, #tpu.memory_space<hbm>>
    %dma_wait3A_32 = tpu.memref_squeeze %dma_wait3A_31 : memref<1x40x128xi32, #tpu.memory_space<hbm>> -> memref<40x128xi32, #tpu.memory_space<hbm>>
    tpu.wait_dma2 semaphore(%arg12 : memref<!tpu.dma_semaphore, #tpu.memory_space<semaphore_mem>>) src(%dma_wait3A_32 : memref<40x128xi32, #tpu.memory_space<hbm>>) dst(%arg8 : memref<40x128xi32, #tpu.memory_space<vmem>>)
    %barrier3A = arith.constant 0 : index
    tpu.barrier barrier_id(%barrier3A)
    %dma_start3A_33 = arith.constant 0 : i32
    %dma_start3A_34 = arith.constant 0 : i32
    %dma_start3A_35 = arith.constant 0 : i32
    %dma_start3A_36 = arith.constant 0 : i32
    %dma_start3A_37 = tpu.memref_slice %arg9[%dma_start3A_34, %dma_start3A_35, %dma_start3A_36] : memref<2x128x128xf32, #tpu.memory_space<vmem>> -> memref<1x128x128xf32, #tpu.memory_space<vmem>>
    %dma_start3A_38 = tpu.memref_squeeze %dma_start3A_37 : memref<1x128x128xf32, #tpu.memory_space<vmem>> -> memref<128x128xf32, #tpu.memory_space<vmem>>
    %dma_start3A_39 = arith.constant 0 : i32
    %dma_start3A_40 = tpu.memref_slice %arg7[%dma_start3A_33, %dma_start3A_39] : memref<40x128xi32, #tpu.memory_space<vmem>> -> memref<1x128xi32, #tpu.memory_space<vmem>>
    %dma_start3A_41 = tpu.memref_squeeze %dma_start3A_40 : memref<1x128xi32, #tpu.memory_space<vmem>> -> memref<128xi32, #tpu.memory_space<vmem>>
    %dma_start3A_42 = arith.constant 0 : i32
    %dma_start3A_43 = arith.constant 0 : i32
    %dma_start3A_44 = tpu.memref_slice %arg2[%dma_start3A_42, %dma_start3A_43] : memref<10000x128xf32, #tpu.memory_space<hbm>> -> memref<10000x128xf32, #tpu.memory_space<hbm>>
    tpu.enqueue_indirect_dma source(%dma_start3A_44 : memref<10000x128xf32, #tpu.memory_space<hbm>>) target(%dma_start3A_38 : memref<128x128xf32, #tpu.memory_space<vmem>>) offsets(%dma_start3A_41 : memref<128xi32, #tpu.memory_space<vmem>>) semaphore(%arg11 : memref<!tpu.dma_semaphore, #tpu.memory_space<semaphore_mem>>)
    %dma_start3A_45 = arith.constant 1 : i32
    %dma_start3A_46 = arith.constant 1 : i32
    %dma_start3A_47 = arith.constant 0 : i32
    %dma_start3A_48 = arith.constant 0 : i32
    %dma_start3A_49 = tpu.memref_slice %arg9[%dma_start3A_46, %dma_start3A_47, %dma_start3A_48] : memref<2x128x128xf32, #tpu.memory_space<vmem>> -> memref<1x128x128xf32, #tpu.memory_space<vmem>>
    %dma_start3A_50 = tpu.memref_squeeze %dma_start3A_49 : memref<1x128x128xf32, #tpu.memory_space<vmem>> -> memref<128x128xf32, #tpu.memory_space<vmem>>
    %dma_start3A_51 = arith.constant 0 : i32
    %dma_start3A_52 = tpu.memref_slice %arg7[%dma_start3A_45, %dma_start3A_51] : memref<40x128xi32, #tpu.memory_space<vmem>> -> memref<1x128xi32, #tpu.memory_space<vmem>>
    %dma_start3A_53 = tpu.memref_squeeze %dma_start3A_52 : memref<1x128xi32, #tpu.memory_space<vmem>> -> memref<128xi32, #tpu.memory_space<vmem>>
    %dma_start3A_54 = arith.constant 0 : i32
    %dma_start3A_55 = arith.constant 0 : i32
    %dma_start3A_56 = tpu.memref_slice %arg2[%dma_start3A_54, %dma_start3A_55] : memref<10000x128xf32, #tpu.memory_space<hbm>> -> memref<10000x128xf32, #tpu.memory_space<hbm>>
    tpu.enqueue_indirect_dma source(%dma_start3A_56 : memref<10000x128xf32, #tpu.memory_space<hbm>>) target(%dma_start3A_50 : memref<128x128xf32, #tpu.memory_space<vmem>>) offsets(%dma_start3A_53 : memref<128xi32, #tpu.memory_space<vmem>>) semaphore(%arg11 : memref<!tpu.dma_semaphore, #tpu.memory_space<semaphore_mem>>)
    %scan3A = arith.constant 0 : i32
    %scan3A_57 = arith.constant 20 : i32
    %scan3A_58 = arith.addi %scan3A, %scan3A_57 : i32
    %scan3A_59 = arith.constant 1 : i32
    scf.for %scan3A_127 = %scan3A to %scan3A_58 step %scan3A_59  : i32 {
      %mul3A_128 = arith.constant 2 : i32
      %mul3A_129 = arith.muli %scan3A_127, %mul3A_128 : i32
      %add3A_130 = arith.constant 0 : i32
      %add3A_131 = arith.addi %add3A_130, %mul3A_129 : i32
      %add3A_132 = arith.constant 0 : i32
      %add3A_133 = arith.addi %add3A_131, %add3A_132 : i32
      %dma_wait3A_134 = arith.constant 0 : i32
      %dma_wait3A_135 = arith.constant 0 : i32
      %dma_wait3A_136 = arith.constant 0 : i32
      %dma_wait3A_137 = tpu.memref_slice %arg9[%dma_wait3A_134, %dma_wait3A_135, %dma_wait3A_136] : memref<2x128x128xf32, #tpu.memory_space<vmem>> -> memref<1x128x128xf32, #tpu.memory_space<vmem>>
      %dma_wait3A_138 = tpu.memref_squeeze %dma_wait3A_137 : memref<1x128x128xf32, #tpu.memory_space<vmem>> -> memref<128x128xf32, #tpu.memory_space<vmem>>
      %dma_wait3A_139 = arith.constant 0 : i32
      %dma_wait3A_140 = tpu.memref_slice %arg7[%add3A_133, %dma_wait3A_139] : memref<40x128xi32, #tpu.memory_space<vmem>> -> memref<1x128xi32, #tpu.memory_space<vmem>>
      %dma_wait3A_141 = tpu.memref_squeeze %dma_wait3A_140 : memref<1x128xi32, #tpu.memory_space<vmem>> -> memref<128xi32, #tpu.memory_space<vmem>>
      %dma_wait3A_142 = arith.constant 0 : i32
      %dma_wait3A_143 = arith.constant 0 : i32
      %dma_wait3A_144 = tpu.memref_slice %arg2[%dma_wait3A_142, %dma_wait3A_143] : memref<10000x128xf32, #tpu.memory_space<hbm>> -> memref<10000x128xf32, #tpu.memory_space<hbm>>
      tpu.wait_indirect_dma semaphore(%arg11 : memref<!tpu.dma_semaphore, #tpu.memory_space<semaphore_mem>>) src(%dma_wait3A_144 : memref<10000x128xf32, #tpu.memory_space<hbm>>) dst(%dma_wait3A_138 : memref<128x128xf32, #tpu.memory_space<vmem>>)
      %run_scoped3A = arith.constant 0 : i32
      "tpu.region"() ({
        %run_scoped3A_170 = tpu.sem_alloc : memref<!tpu.dma_semaphore, #tpu.memory_space<semaphore_mem>>
        %dma_start3A_171 = arith.constant 0 : i32
        %dma_start3A_172 = arith.constant 0 : i32
        %dma_start3A_173 = tpu.memref_slice %arg9[%run_scoped3A, %dma_start3A_171, %dma_start3A_172] : memref<2x128x128xf32, #tpu.memory_space<vmem>> -> memref<1x128x128xf32, #tpu.memory_space<vmem>>
        %dma_start3A_174 = tpu.memref_squeeze %dma_start3A_173 : memref<1x128x128xf32, #tpu.memory_space<vmem>> -> memref<128x128xf32, #tpu.memory_space<vmem>>
        %dma_start3A_175 = arith.constant 0 : i32
        %dma_start3A_176 = tpu.memref_slice %arg8[%add3A_133, %dma_start3A_175] : memref<40x128xi32, #tpu.memory_space<vmem>> -> memref<1x128xi32, #tpu.memory_space<vmem>>
        %dma_start3A_177 = tpu.memref_squeeze %dma_start3A_176 : memref<1x128xi32, #tpu.memory_space<vmem>> -> memref<128xi32, #tpu.memory_space<vmem>>
        %dma_start3A_178 = arith.constant 0 : i32
        %dma_start3A_179 = arith.constant 0 : i32
        %dma_start3A_180 = tpu.memref_slice %arg10[%dma_start3A_178, %dma_start3A_179] : memref<10112x128xf32, #tpu.memory_space<vmem_shared>> -> memref<10112x128xf32, #tpu.memory_space<vmem_shared>>
        tpu.enqueue_indirect_dma source(%dma_start3A_174 : memref<128x128xf32, #tpu.memory_space<vmem>>) target(%dma_start3A_180 : memref<10112x128xf32, #tpu.memory_space<vmem_shared>>) offsets(%dma_start3A_177 : memref<128xi32, #tpu.memory_space<vmem>>) semaphore(%run_scoped3A_170 : memref<!tpu.dma_semaphore, #tpu.memory_space<semaphore_mem>>) {add = true}
        %dma_wait3A_181 = arith.constant 0 : i32
        %dma_wait3A_182 = arith.constant 0 : i32
        %dma_wait3A_183 = tpu.memref_slice %arg9[%run_scoped3A, %dma_wait3A_181, %dma_wait3A_182] : memref<2x128x128xf32, #tpu.memory_space<vmem>> -> memref<1x128x128xf32, #tpu.memory_space<vmem>>
        %dma_wait3A_184 = tpu.memref_squeeze %dma_wait3A_183 : memref<1x128x128xf32, #tpu.memory_space<vmem>> -> memref<128x128xf32, #tpu.memory_space<vmem>>
        %dma_wait3A_185 = arith.constant 0 : i32
        %dma_wait3A_186 = tpu.memref_slice %arg8[%add3A_133, %dma_wait3A_185] : memref<40x128xi32, #tpu.memory_space<vmem>> -> memref<1x128xi32, #tpu.memory_space<vmem>>
        %dma_wait3A_187 = tpu.memref_squeeze %dma_wait3A_186 : memref<1x128xi32, #tpu.memory_space<vmem>> -> memref<128xi32, #tpu.memory_space<vmem>>
        %dma_wait3A_188 = arith.constant 0 : i32
        %dma_wait3A_189 = arith.constant 0 : i32
        %dma_wait3A_190 = tpu.memref_slice %arg10[%dma_wait3A_188, %dma_wait3A_189] : memref<10112x128xf32, #tpu.memory_space<vmem_shared>> -> memref<10112x128xf32, #tpu.memory_space<vmem_shared>>
        tpu.wait_indirect_dma semaphore(%run_scoped3A_170 : memref<!tpu.dma_semaphore, #tpu.memory_space<semaphore_mem>>) src(%dma_wait3A_184 : memref<128x128xf32, #tpu.memory_space<vmem>>) dst(%dma_wait3A_190 : memref<10112x128xf32, #tpu.memory_space<vmem_shared>>)
        tpu.yield
      }) : () -> ()
      %add3A_145 = arith.constant 2 : i32
      %add3A_146 = arith.addi %add3A_133, %add3A_145 : i32
      %lt3A = arith.constant 40 : i32
      %lt3A_147 = arith.cmpi slt, %add3A_146, %lt3A : i32
      %convert_element_type3A = arith.extui %lt3A_147 : i1 to i32
      %cond3A = arith.constant 0 : i32
      %cond3A_148 = arith.cmpi ne, %convert_element_type3A, %cond3A : i32
      scf.if %cond3A_148 {
        %add3A_170 = arith.constant 2 : i32
        %add3A_171 = arith.addi %add3A_133, %add3A_170 : i32
        %dma_start3A_172 = arith.constant 0 : i32
        %dma_start3A_173 = arith.constant 0 : i32
        %dma_start3A_174 = arith.constant 0 : i32
        %dma_start3A_175 = tpu.memref_slice %arg9[%dma_start3A_172, %dma_start3A_173, %dma_start3A_174] : memref<2x128x128xf32, #tpu.memory_space<vmem>> -> memref<1x128x128xf32, #tpu.memory_space<vmem>>
        %dma_start3A_176 = tpu.memref_squeeze %dma_start3A_175 : memref<1x128x128xf32, #tpu.memory_space<vmem>> -> memref<128x128xf32, #tpu.memory_space<vmem>>
        %dma_start3A_177 = arith.constant 0 : i32
        %dma_start3A_178 = tpu.memref_slice %arg7[%add3A_171, %dma_start3A_177] : memref<40x128xi32, #tpu.memory_space<vmem>> -> memref<1x128xi32, #tpu.memory_space<vmem>>
        %dma_start3A_179 = tpu.memref_squeeze %dma_start3A_178 : memref<1x128xi32, #tpu.memory_space<vmem>> -> memref<128xi32, #tpu.memory_space<vmem>>
        %dma_start3A_180 = arith.constant 0 : i32
        %dma_start3A_181 = arith.constant 0 : i32
        %dma_start3A_182 = tpu.memref_slice %arg2[%dma_start3A_180, %dma_start3A_181] : memref<10000x128xf32, #tpu.memory_space<hbm>> -> memref<10000x128xf32, #tpu.memory_space<hbm>>
        tpu.enqueue_indirect_dma source(%dma_start3A_182 : memref<10000x128xf32, #tpu.memory_space<hbm>>) target(%dma_start3A_176 : memref<128x128xf32, #tpu.memory_space<vmem>>) offsets(%dma_start3A_179 : memref<128xi32, #tpu.memory_space<vmem>>) semaphore(%arg11 : memref<!tpu.dma_semaphore, #tpu.memory_space<semaphore_mem>>)
      } else {
      }
      %add3A_149 = arith.constant 1 : i32
      %add3A_150 = arith.addi %add3A_131, %add3A_149 : i32
      %dma_wait3A_151 = arith.constant 1 : i32
      %dma_wait3A_152 = arith.constant 0 : i32
      %dma_wait3A_153 = arith.constant 0 : i32
      %dma_wait3A_154 = tpu.memref_slice %arg9[%dma_wait3A_151, %dma_wait3A_152, %dma_wait3A_153] : memref<2x128x128xf32, #tpu.memory_space<vmem>> -> memref<1x128x128xf32, #tpu.memory_space<vmem>>
      %dma_wait3A_155 = tpu.memref_squeeze %dma_wait3A_154 : memref<1x128x128xf32, #tpu.memory_space<vmem>> -> memref<128x128xf32, #tpu.memory_space<vmem>>
      %dma_wait3A_156 = arith.constant 0 : i32
      %dma_wait3A_157 = tpu.memref_slice %arg7[%add3A_150, %dma_wait3A_156] : memref<40x128xi32, #tpu.memory_space<vmem>> -> memref<1x128xi32, #tpu.memory_space<vmem>>
      %dma_wait3A_158 = tpu.memref_squeeze %dma_wait3A_157 : memref<1x128xi32, #tpu.memory_space<vmem>> -> memref<128xi32, #tpu.memory_space<vmem>>
      %dma_wait3A_159 = arith.constant 0 : i32
      %dma_wait3A_160 = arith.constant 0 : i32
      %dma_wait3A_161 = tpu.memref_slice %arg2[%dma_wait3A_159, %dma_wait3A_160] : memref<10000x128xf32, #tpu.memory_space<hbm>> -> memref<10000x128xf32, #tpu.memory_space<hbm>>
      tpu.wait_indirect_dma semaphore(%arg11 : memref<!tpu.dma_semaphore, #tpu.memory_space<semaphore_mem>>) src(%dma_wait3A_161 : memref<10000x128xf32, #tpu.memory_space<hbm>>) dst(%dma_wait3A_155 : memref<128x128xf32, #tpu.memory_space<vmem>>)
      %run_scoped3A_162 = arith.constant 1 : i32
      "tpu.region"() ({
        %run_scoped3A_170 = tpu.sem_alloc : memref<!tpu.dma_semaphore, #tpu.memory_space<semaphore_mem>>
        %dma_start3A_171 = arith.constant 0 : i32
        %dma_start3A_172 = arith.constant 0 : i32
        %dma_start3A_173 = tpu.memref_slice %arg9[%run_scoped3A_162, %dma_start3A_171, %dma_start3A_172] : memref<2x128x128xf32, #tpu.memory_space<vmem>> -> memref<1x128x128xf32, #tpu.memory_space<vmem>>
        %dma_start3A_174 = tpu.memref_squeeze %dma_start3A_173 : memref<1x128x128xf32, #tpu.memory_space<vmem>> -> memref<128x128xf32, #tpu.memory_space<vmem>>
        %dma_start3A_175 = arith.constant 0 : i32
        %dma_start3A_176 = tpu.memref_slice %arg8[%add3A_150, %dma_start3A_175] : memref<40x128xi32, #tpu.memory_space<vmem>> -> memref<1x128xi32, #tpu.memory_space<vmem>>
        %dma_start3A_177 = tpu.memref_squeeze %dma_start3A_176 : memref<1x128xi32, #tpu.memory_space<vmem>> -> memref<128xi32, #tpu.memory_space<vmem>>
        %dma_start3A_178 = arith.constant 0 : i32
        %dma_start3A_179 = arith.constant 0 : i32
        %dma_start3A_180 = tpu.memref_slice %arg10[%dma_start3A_178, %dma_start3A_179] : memref<10112x128xf32, #tpu.memory_space<vmem_shared>> -> memref<10112x128xf32, #tpu.memory_space<vmem_shared>>
        tpu.enqueue_indirect_dma source(%dma_start3A_174 : memref<128x128xf32, #tpu.memory_space<vmem>>) target(%dma_start3A_180 : memref<10112x128xf32, #tpu.memory_space<vmem_shared>>) offsets(%dma_start3A_177 : memref<128xi32, #tpu.memory_space<vmem>>) semaphore(%run_scoped3A_170 : memref<!tpu.dma_semaphore, #tpu.memory_space<semaphore_mem>>) {add = true}
        %dma_wait3A_181 = arith.constant 0 : i32
        %dma_wait3A_182 = arith.constant 0 : i32
        %dma_wait3A_183 = tpu.memref_slice %arg9[%run_scoped3A_162, %dma_wait3A_181, %dma_wait3A_182] : memref<2x128x128xf32, #tpu.memory_space<vmem>> -> memref<1x128x128xf32, #tpu.memory_space<vmem>>
        %dma_wait3A_184 = tpu.memref_squeeze %dma_wait3A_183 : memref<1x128x128xf32, #tpu.memory_space<vmem>> -> memref<128x128xf32, #tpu.memory_space<vmem>>
        %dma_wait3A_185 = arith.constant 0 : i32
        %dma_wait3A_186 = tpu.memref_slice %arg8[%add3A_150, %dma_wait3A_185] : memref<40x128xi32, #tpu.memory_space<vmem>> -> memref<1x128xi32, #tpu.memory_space<vmem>>
        %dma_wait3A_187 = tpu.memref_squeeze %dma_wait3A_186 : memref<1x128xi32, #tpu.memory_space<vmem>> -> memref<128xi32, #tpu.memory_space<vmem>>
        %dma_wait3A_188 = arith.constant 0 : i32
        %dma_wait3A_189 = arith.constant 0 : i32
        %dma_wait3A_190 = tpu.memref_slice %arg10[%dma_wait3A_188, %dma_wait3A_189] : memref<10112x128xf32, #tpu.memory_space<vmem_shared>> -> memref<10112x128xf32, #tpu.memory_space<vmem_shared>>
        tpu.wait_indirect_dma semaphore(%run_scoped3A_170 : memref<!tpu.dma_semaphore, #tpu.memory_space<semaphore_mem>>) src(%dma_wait3A_184 : memref<128x128xf32, #tpu.memory_space<vmem>>) dst(%dma_wait3A_190 : memref<10112x128xf32, #tpu.memory_space<vmem_shared>>)
        tpu.yield
      }) : () -> ()
      %add3A_163 = arith.constant 2 : i32
      %add3A_164 = arith.addi %add3A_150, %add3A_163 : i32
      %lt3A_165 = arith.constant 40 : i32
      %lt3A_166 = arith.cmpi slt, %add3A_164, %lt3A_165 : i32
      %convert_element_type3A_167 = arith.extui %lt3A_166 : i1 to i32
      %cond3A_168 = arith.constant 0 : i32
      %cond3A_169 = arith.cmpi ne, %convert_element_type3A_167, %cond3A_168 : i32
      scf.if %cond3A_169 {
        %add3A_170 = arith.constant 2 : i32
        %add3A_171 = arith.addi %add3A_150, %add3A_170 : i32
        %dma_start3A_172 = arith.constant 1 : i32
        %dma_start3A_173 = arith.constant 0 : i32
        %dma_start3A_174 = arith.constant 0 : i32
        %dma_start3A_175 = tpu.memref_slice %arg9[%dma_start3A_172, %dma_start3A_173, %dma_start3A_174] : memref<2x128x128xf32, #tpu.memory_space<vmem>> -> memref<1x128x128xf32, #tpu.memory_space<vmem>>
        %dma_start3A_176 = tpu.memref_squeeze %dma_start3A_175 : memref<1x128x128xf32, #tpu.memory_space<vmem>> -> memref<128x128xf32, #tpu.memory_space<vmem>>
        %dma_start3A_177 = arith.constant 0 : i32
        %dma_start3A_178 = tpu.memref_slice %arg7[%add3A_171, %dma_start3A_177] : memref<40x128xi32, #tpu.memory_space<vmem>> -> memref<1x128xi32, #tpu.memory_space<vmem>>
        %dma_start3A_179 = tpu.memref_squeeze %dma_start3A_178 : memref<1x128xi32, #tpu.memory_space<vmem>> -> memref<128xi32, #tpu.memory_space<vmem>>
        %dma_start3A_180 = arith.constant 0 : i32
        %dma_start3A_181 = arith.constant 0 : i32
        %dma_start3A_182 = tpu.memref_slice %arg2[%dma_start3A_180, %dma_start3A_181] : memref<10000x128xf32, #tpu.memory_space<hbm>> -> memref<10000x128xf32, #tpu.memory_space<hbm>>
        tpu.enqueue_indirect_dma source(%dma_start3A_182 : memref<10000x128xf32, #tpu.memory_space<hbm>>) target(%dma_start3A_176 : memref<128x128xf32, #tpu.memory_space<vmem>>) offsets(%dma_start3A_179 : memref<128xi32, #tpu.memory_space<vmem>>) semaphore(%arg11 : memref<!tpu.dma_semaphore, #tpu.memory_space<semaphore_mem>>)
      } else {
      }
    }
    %scan3A_60 = arith.constant 20 : i32
    %dma_start3A_61 = arith.constant 40 : i32
    %dma_start3A_62 = arith.constant 0 : i32
    %dma_start3A_63 = tpu.memref_slice %arg4[%add3A, %dma_start3A_61, %dma_start3A_62] : memref<32x80x128xi32, #tpu.memory_space<hbm>> -> memref<1x40x128xi32, #tpu.memory_space<hbm>>
    %dma_start3A_64 = tpu.memref_squeeze %dma_start3A_63 : memref<1x40x128xi32, #tpu.memory_space<hbm>> -> memref<40x128xi32, #tpu.memory_space<hbm>>
    %dma_start3A_65 = arith.constant 40 : i32
    %dma_start3A_66 = arith.constant 0 : i32
    %dma_start3A_67 = tpu.memref_slice %arg4[%add3A, %dma_start3A_65, %dma_start3A_66] : memref<32x80x128xi32, #tpu.memory_space<hbm>> -> memref<1x40x128xi32, #tpu.memory_space<hbm>>
    %dma_start3A_68 = tpu.memref_squeeze %dma_start3A_67 : memref<1x40x128xi32, #tpu.memory_space<hbm>> -> memref<40x128xi32, #tpu.memory_space<hbm>>
    tpu.enqueue_dma source(%dma_start3A_68 : memref<40x128xi32, #tpu.memory_space<hbm>>) target(%arg7 : memref<40x128xi32, #tpu.memory_space<vmem>>) target_semaphore(%arg12 : memref<!tpu.dma_semaphore, #tpu.memory_space<semaphore_mem>>)
    %dma_start3A_69 = arith.constant 40 : i32
    %dma_start3A_70 = arith.constant 0 : i32
    %dma_start3A_71 = tpu.memref_slice %arg3[%add3A, %dma_start3A_69, %dma_start3A_70] : memref<32x80x128xi32, #tpu.memory_space<hbm>> -> memref<1x40x128xi32, #tpu.memory_space<hbm>>
    %dma_start3A_72 = tpu.memref_squeeze %dma_start3A_71 : memref<1x40x128xi32, #tpu.memory_space<hbm>> -> memref<40x128xi32, #tpu.memory_space<hbm>>
    %dma_start3A_73 = arith.constant 40 : i32
    %dma_start3A_74 = arith.constant 0 : i32
    %dma_start3A_75 = tpu.memref_slice %arg3[%add3A, %dma_start3A_73, %dma_start3A_74] : memref<32x80x128xi32, #tpu.memory_space<hbm>> -> memref<1x40x128xi32, #tpu.memory_space<hbm>>
    %dma_start3A_76 = tpu.memref_squeeze %dma_start3A_75 : memref<1x40x128xi32, #tpu.memory_space<hbm>> -> memref<40x128xi32, #tpu.memory_space<hbm>>
    tpu.enqueue_dma source(%dma_start3A_76 : memref<40x128xi32, #tpu.memory_space<hbm>>) target(%arg8 : memref<40x128xi32, #tpu.memory_space<vmem>>) target_semaphore(%arg12 : memref<!tpu.dma_semaphore, #tpu.memory_space<semaphore_mem>>)
    %dma_wait3A_77 = arith.constant 40 : i32
    %dma_wait3A_78 = arith.constant 0 : i32
    %dma_wait3A_79 = tpu.memref_slice %arg4[%add3A, %dma_wait3A_77, %dma_wait3A_78] : memref<32x80x128xi32, #tpu.memory_space<hbm>> -> memref<1x40x128xi32, #tpu.memory_space<hbm>>
    %dma_wait3A_80 = tpu.memref_squeeze %dma_wait3A_79 : memref<1x40x128xi32, #tpu.memory_space<hbm>> -> memref<40x128xi32, #tpu.memory_space<hbm>>
    %dma_wait3A_81 = arith.constant 40 : i32
    %dma_wait3A_82 = arith.constant 0 : i32
    %dma_wait3A_83 = tpu.memref_slice %arg4[%add3A, %dma_wait3A_81, %dma_wait3A_82] : memref<32x80x128xi32, #tpu.memory_space<hbm>> -> memref<1x40x128xi32, #tpu.memory_space<hbm>>
    %dma_wait3A_84 = tpu.memref_squeeze %dma_wait3A_83 : memref<1x40x128xi32, #tpu.memory_space<hbm>> -> memref<40x128xi32, #tpu.memory_space<hbm>>
    tpu.wait_dma2 semaphore(%arg12 : memref<!tpu.dma_semaphore, #tpu.memory_space<semaphore_mem>>) src(%dma_wait3A_84 : memref<40x128xi32, #tpu.memory_space<hbm>>) dst(%arg7 : memref<40x128xi32, #tpu.memory_space<vmem>>)
    %dma_wait3A_85 = arith.constant 40 : i32
    %dma_wait3A_86 = arith.constant 0 : i32
    %dma_wait3A_87 = tpu.memref_slice %arg3[%add3A, %dma_wait3A_85, %dma_wait3A_86] : memref<32x80x128xi32, #tpu.memory_space<hbm>> -> memref<1x40x128xi32, #tpu.memory_space<hbm>>
    %dma_wait3A_88 = tpu.memref_squeeze %dma_wait3A_87 : memref<1x40x128xi32, #tpu.memory_space<hbm>> -> memref<40x128xi32, #tpu.memory_space<hbm>>
    %dma_wait3A_89 = arith.constant 40 : i32
    %dma_wait3A_90 = arith.constant 0 : i32
    %dma_wait3A_91 = tpu.memref_slice %arg3[%add3A, %dma_wait3A_89, %dma_wait3A_90] : memref<32x80x128xi32, #tpu.memory_space<hbm>> -> memref<1x40x128xi32, #tpu.memory_space<hbm>>
    %dma_wait3A_92 = tpu.memref_squeeze %dma_wait3A_91 : memref<1x40x128xi32, #tpu.memory_space<hbm>> -> memref<40x128xi32, #tpu.memory_space<hbm>>
    tpu.wait_dma2 semaphore(%arg12 : memref<!tpu.dma_semaphore, #tpu.memory_space<semaphore_mem>>) src(%dma_wait3A_92 : memref<40x128xi32, #tpu.memory_space<hbm>>) dst(%arg8 : memref<40x128xi32, #tpu.memory_space<vmem>>)
    %dma_start3A_93 = arith.constant 0 : i32
    %dma_start3A_94 = arith.constant 0 : i32
    %dma_start3A_95 = arith.constant 0 : i32
    %dma_start3A_96 = arith.constant 0 : i32
    %dma_start3A_97 = tpu.memref_slice %arg9[%dma_start3A_94, %dma_start3A_95, %dma_start3A_96] : memref<2x128x128xf32, #tpu.memory_space<vmem>> -> memref<1x128x128xf32, #tpu.memory_space<vmem>>
    %dma_start3A_98 = tpu.memref_squeeze %dma_start3A_97 : memref<1x128x128xf32, #tpu.memory_space<vmem>> -> memref<128x128xf32, #tpu.memory_space<vmem>>
    %dma_start3A_99 = arith.constant 0 : i32
    %dma_start3A_100 = tpu.memref_slice %arg7[%dma_start3A_93, %dma_start3A_99] : memref<40x128xi32, #tpu.memory_space<vmem>> -> memref<1x128xi32, #tpu.memory_space<vmem>>
    %dma_start3A_101 = tpu.memref_squeeze %dma_start3A_100 : memref<1x128xi32, #tpu.memory_space<vmem>> -> memref<128xi32, #tpu.memory_space<vmem>>
    %dma_start3A_102 = arith.constant 0 : i32
    %dma_start3A_103 = arith.constant 0 : i32
    %dma_start3A_104 = tpu.memref_slice %arg2[%dma_start3A_102, %dma_start3A_103] : memref<10000x128xf32, #tpu.memory_space<hbm>> -> memref<10000x128xf32, #tpu.memory_space<hbm>>
    tpu.enqueue_indirect_dma source(%dma_start3A_104 : memref<10000x128xf32, #tpu.memory_space<hbm>>) target(%dma_start3A_98 : memref<128x128xf32, #tpu.memory_space<vmem>>) offsets(%dma_start3A_101 : memref<128xi32, #tpu.memory_space<vmem>>) semaphore(%arg11 : memref<!tpu.dma_semaphore, #tpu.memory_space<semaphore_mem>>)
    %dma_start3A_105 = arith.constant 1 : i32
    %dma_start3A_106 = arith.constant 1 : i32
    %dma_start3A_107 = arith.constant 0 : i32
    %dma_start3A_108 = arith.constant 0 : i32
    %dma_start3A_109 = tpu.memref_slice %arg9[%dma_start3A_106, %dma_start3A_107, %dma_start3A_108] : memref<2x128x128xf32, #tpu.memory_space<vmem>> -> memref<1x128x128xf32, #tpu.memory_space<vmem>>
    %dma_start3A_110 = tpu.memref_squeeze %dma_start3A_109 : memref<1x128x128xf32, #tpu.memory_space<vmem>> -> memref<128x128xf32, #tpu.memory_space<vmem>>
    %dma_start3A_111 = arith.constant 0 : i32
    %dma_start3A_112 = tpu.memref_slice %arg7[%dma_start3A_105, %dma_start3A_111] : memref<40x128xi32, #tpu.memory_space<vmem>> -> memref<1x128xi32, #tpu.memory_space<vmem>>
    %dma_start3A_113 = tpu.memref_squeeze %dma_start3A_112 : memref<1x128xi32, #tpu.memory_space<vmem>> -> memref<128xi32, #tpu.memory_space<vmem>>
    %dma_start3A_114 = arith.constant 0 : i32
    %dma_start3A_115 = arith.constant 0 : i32
    %dma_start3A_116 = tpu.memref_slice %arg2[%dma_start3A_114, %dma_start3A_115] : memref<10000x128xf32, #tpu.memory_space<hbm>> -> memref<10000x128xf32, #tpu.memory_space<hbm>>
    tpu.enqueue_indirect_dma source(%dma_start3A_116 : memref<10000x128xf32, #tpu.memory_space<hbm>>) target(%dma_start3A_110 : memref<128x128xf32, #tpu.memory_space<vmem>>) offsets(%dma_start3A_113 : memref<128xi32, #tpu.memory_space<vmem>>) semaphore(%arg11 : memref<!tpu.dma_semaphore, #tpu.memory_space<semaphore_mem>>)
    %scan3A_117 = arith.constant 0 : i32
    %scan3A_118 = arith.constant 20 : i32
    %scan3A_119 = arith.addi %scan3A_117, %scan3A_118 : i32
    %scan3A_120 = arith.constant 1 : i32
    scf.for %scan3A_127 = %scan3A_117 to %scan3A_119 step %scan3A_120  : i32 {
      %mul3A_128 = arith.constant 2 : i32
      %mul3A_129 = arith.muli %scan3A_127, %mul3A_128 : i32
      %add3A_130 = arith.constant 0 : i32
      %add3A_131 = arith.addi %add3A_130, %mul3A_129 : i32
      %add3A_132 = arith.constant 0 : i32
      %add3A_133 = arith.addi %add3A_131, %add3A_132 : i32
      %dma_wait3A_134 = arith.constant 0 : i32
      %dma_wait3A_135 = arith.constant 0 : i32
      %dma_wait3A_136 = arith.constant 0 : i32
      %dma_wait3A_137 = tpu.memref_slice %arg9[%dma_wait3A_134, %dma_wait3A_135, %dma_wait3A_136] : memref<2x128x128xf32, #tpu.memory_space<vmem>> -> memref<1x128x128xf32, #tpu.memory_space<vmem>>
      %dma_wait3A_138 = tpu.memref_squeeze %dma_wait3A_137 : memref<1x128x128xf32, #tpu.memory_space<vmem>> -> memref<128x128xf32, #tpu.memory_space<vmem>>
      %dma_wait3A_139 = arith.constant 0 : i32
      %dma_wait3A_140 = tpu.memref_slice %arg7[%add3A_133, %dma_wait3A_139] : memref<40x128xi32, #tpu.memory_space<vmem>> -> memref<1x128xi32, #tpu.memory_space<vmem>>
      %dma_wait3A_141 = tpu.memref_squeeze %dma_wait3A_140 : memref<1x128xi32, #tpu.memory_space<vmem>> -> memref<128xi32, #tpu.memory_space<vmem>>
      %dma_wait3A_142 = arith.constant 0 : i32
      %dma_wait3A_143 = arith.constant 0 : i32
      %dma_wait3A_144 = tpu.memref_slice %arg2[%dma_wait3A_142, %dma_wait3A_143] : memref<10000x128xf32, #tpu.memory_space<hbm>> -> memref<10000x128xf32, #tpu.memory_space<hbm>>
      tpu.wait_indirect_dma semaphore(%arg11 : memref<!tpu.dma_semaphore, #tpu.memory_space<semaphore_mem>>) src(%dma_wait3A_144 : memref<10000x128xf32, #tpu.memory_space<hbm>>) dst(%dma_wait3A_138 : memref<128x128xf32, #tpu.memory_space<vmem>>)
      %run_scoped3A = arith.constant 0 : i32
      "tpu.region"() ({
        %run_scoped3A_170 = tpu.sem_alloc : memref<!tpu.dma_semaphore, #tpu.memory_space<semaphore_mem>>
        %dma_start3A_171 = arith.constant 0 : i32
        %dma_start3A_172 = arith.constant 0 : i32
        %dma_start3A_173 = tpu.memref_slice %arg9[%run_scoped3A, %dma_start3A_171, %dma_start3A_172] : memref<2x128x128xf32, #tpu.memory_space<vmem>> -> memref<1x128x128xf32, #tpu.memory_space<vmem>>
        %dma_start3A_174 = tpu.memref_squeeze %dma_start3A_173 : memref<1x128x128xf32, #tpu.memory_space<vmem>> -> memref<128x128xf32, #tpu.memory_space<vmem>>
        %dma_start3A_175 = arith.constant 0 : i32
        %dma_start3A_176 = tpu.memref_slice %arg8[%add3A_133, %dma_start3A_175] : memref<40x128xi32, #tpu.memory_space<vmem>> -> memref<1x128xi32, #tpu.memory_space<vmem>>
        %dma_start3A_177 = tpu.memref_squeeze %dma_start3A_176 : memref<1x128xi32, #tpu.memory_space<vmem>> -> memref<128xi32, #tpu.memory_space<vmem>>
        %dma_start3A_178 = arith.constant 0 : i32
        %dma_start3A_179 = arith.constant 0 : i32
        %dma_start3A_180 = tpu.memref_slice %arg10[%dma_start3A_178, %dma_start3A_179] : memref<10112x128xf32, #tpu.memory_space<vmem_shared>> -> memref<10112x128xf32, #tpu.memory_space<vmem_shared>>
        tpu.enqueue_indirect_dma source(%dma_start3A_174 : memref<128x128xf32, #tpu.memory_space<vmem>>) target(%dma_start3A_180 : memref<10112x128xf32, #tpu.memory_space<vmem_shared>>) offsets(%dma_start3A_177 : memref<128xi32, #tpu.memory_space<vmem>>) semaphore(%run_scoped3A_170 : memref<!tpu.dma_semaphore, #tpu.memory_space<semaphore_mem>>) {add = true}
        %dma_wait3A_181 = arith.constant 0 : i32
        %dma_wait3A_182 = arith.constant 0 : i32
        %dma_wait3A_183 = tpu.memref_slice %arg9[%run_scoped3A, %dma_wait3A_181, %dma_wait3A_182] : memref<2x128x128xf32, #tpu.memory_space<vmem>> -> memref<1x128x128xf32, #tpu.memory_space<vmem>>
        %dma_wait3A_184 = tpu.memref_squeeze %dma_wait3A_183 : memref<1x128x128xf32, #tpu.memory_space<vmem>> -> memref<128x128xf32, #tpu.memory_space<vmem>>
        %dma_wait3A_185 = arith.constant 0 : i32
        %dma_wait3A_186 = tpu.memref_slice %arg8[%add3A_133, %dma_wait3A_185] : memref<40x128xi32, #tpu.memory_space<vmem>> -> memref<1x128xi32, #tpu.memory_space<vmem>>
        %dma_wait3A_187 = tpu.memref_squeeze %dma_wait3A_186 : memref<1x128xi32, #tpu.memory_space<vmem>> -> memref<128xi32, #tpu.memory_space<vmem>>
        %dma_wait3A_188 = arith.constant 0 : i32
        %dma_wait3A_189 = arith.constant 0 : i32
        %dma_wait3A_190 = tpu.memref_slice %arg10[%dma_wait3A_188, %dma_wait3A_189] : memref<10112x128xf32, #tpu.memory_space<vmem_shared>> -> memref<10112x128xf32, #tpu.memory_space<vmem_shared>>
        tpu.wait_indirect_dma semaphore(%run_scoped3A_170 : memref<!tpu.dma_semaphore, #tpu.memory_space<semaphore_mem>>) src(%dma_wait3A_184 : memref<128x128xf32, #tpu.memory_space<vmem>>) dst(%dma_wait3A_190 : memref<10112x128xf32, #tpu.memory_space<vmem_shared>>)
        tpu.yield
      }) : () -> ()
      %add3A_145 = arith.constant 2 : i32
      %add3A_146 = arith.addi %add3A_133, %add3A_145 : i32
      %lt3A = arith.constant 40 : i32
      %lt3A_147 = arith.cmpi slt, %add3A_146, %lt3A : i32
      %convert_element_type3A = arith.extui %lt3A_147 : i1 to i32
      %cond3A = arith.constant 0 : i32
      %cond3A_148 = arith.cmpi ne, %convert_element_type3A, %cond3A : i32
      scf.if %cond3A_148 {
        %add3A_170 = arith.constant 2 : i32
        %add3A_171 = arith.addi %add3A_133, %add3A_170 : i32
        %dma_start3A_172 = arith.constant 0 : i32
        %dma_start3A_173 = arith.constant 0 : i32
        %dma_start3A_174 = arith.constant 0 : i32
        %dma_start3A_175 = tpu.memref_slice %arg9[%dma_start3A_172, %dma_start3A_173, %dma_start3A_174] : memref<2x128x128xf32, #tpu.memory_space<vmem>> -> memref<1x128x128xf32, #tpu.memory_space<vmem>>
        %dma_start3A_176 = tpu.memref_squeeze %dma_start3A_175 : memref<1x128x128xf32, #tpu.memory_space<vmem>> -> memref<128x128xf32, #tpu.memory_space<vmem>>
        %dma_start3A_177 = arith.constant 0 : i32
        %dma_start3A_178 = tpu.memref_slice %arg7[%add3A_171, %dma_start3A_177] : memref<40x128xi32, #tpu.memory_space<vmem>> -> memref<1x128xi32, #tpu.memory_space<vmem>>
        %dma_start3A_179 = tpu.memref_squeeze %dma_start3A_178 : memref<1x128xi32, #tpu.memory_space<vmem>> -> memref<128xi32, #tpu.memory_space<vmem>>
        %dma_start3A_180 = arith.constant 0 : i32
        %dma_start3A_181 = arith.constant 0 : i32
        %dma_start3A_182 = tpu.memref_slice %arg2[%dma_start3A_180, %dma_start3A_181] : memref<10000x128xf32, #tpu.memory_space<hbm>> -> memref<10000x128xf32, #tpu.memory_space<hbm>>
        tpu.enqueue_indirect_dma source(%dma_start3A_182 : memref<10000x128xf32, #tpu.memory_space<hbm>>) target(%dma_start3A_176 : memref<128x128xf32, #tpu.memory_space<vmem>>) offsets(%dma_start3A_179 : memref<128xi32, #tpu.memory_space<vmem>>) semaphore(%arg11 : memref<!tpu.dma_semaphore, #tpu.memory_space<semaphore_mem>>)
      } else {
      }
      %add3A_149 = arith.constant 1 : i32
      %add3A_150 = arith.addi %add3A_131, %add3A_149 : i32
      %dma_wait3A_151 = arith.constant 1 : i32
      %dma_wait3A_152 = arith.constant 0 : i32
      %dma_wait3A_153 = arith.constant 0 : i32
      %dma_wait3A_154 = tpu.memref_slice %arg9[%dma_wait3A_151, %dma_wait3A_152, %dma_wait3A_153] : memref<2x128x128xf32, #tpu.memory_space<vmem>> -> memref<1x128x128xf32, #tpu.memory_space<vmem>>
      %dma_wait3A_155 = tpu.memref_squeeze %dma_wait3A_154 : memref<1x128x128xf32, #tpu.memory_space<vmem>> -> memref<128x128xf32, #tpu.memory_space<vmem>>
      %dma_wait3A_156 = arith.constant 0 : i32
      %dma_wait3A_157 = tpu.memref_slice %arg7[%add3A_150, %dma_wait3A_156] : memref<40x128xi32, #tpu.memory_space<vmem>> -> memref<1x128xi32, #tpu.memory_space<vmem>>
      %dma_wait3A_158 = tpu.memref_squeeze %dma_wait3A_157 : memref<1x128xi32, #tpu.memory_space<vmem>> -> memref<128xi32, #tpu.memory_space<vmem>>
      %dma_wait3A_159 = arith.constant 0 : i32
      %dma_wait3A_160 = arith.constant 0 : i32
      %dma_wait3A_161 = tpu.memref_slice %arg2[%dma_wait3A_159, %dma_wait3A_160] : memref<10000x128xf32, #tpu.memory_space<hbm>> -> memref<10000x128xf32, #tpu.memory_space<hbm>>
      tpu.wait_indirect_dma semaphore(%arg11 : memref<!tpu.dma_semaphore, #tpu.memory_space<semaphore_mem>>) src(%dma_wait3A_161 : memref<10000x128xf32, #tpu.memory_space<hbm>>) dst(%dma_wait3A_155 : memref<128x128xf32, #tpu.memory_space<vmem>>)
      %run_scoped3A_162 = arith.constant 1 : i32
      "tpu.region"() ({
        %run_scoped3A_170 = tpu.sem_alloc : memref<!tpu.dma_semaphore, #tpu.memory_space<semaphore_mem>>
        %dma_start3A_171 = arith.constant 0 : i32
        %dma_start3A_172 = arith.constant 0 : i32
        %dma_start3A_173 = tpu.memref_slice %arg9[%run_scoped3A_162, %dma_start3A_171, %dma_start3A_172] : memref<2x128x128xf32, #tpu.memory_space<vmem>> -> memref<1x128x128xf32, #tpu.memory_space<vmem>>
        %dma_start3A_174 = tpu.memref_squeeze %dma_start3A_173 : memref<1x128x128xf32, #tpu.memory_space<vmem>> -> memref<128x128xf32, #tpu.memory_space<vmem>>
        %dma_start3A_175 = arith.constant 0 : i32
        %dma_start3A_176 = tpu.memref_slice %arg8[%add3A_150, %dma_start3A_175] : memref<40x128xi32, #tpu.memory_space<vmem>> -> memref<1x128xi32, #tpu.memory_space<vmem>>
        %dma_start3A_177 = tpu.memref_squeeze %dma_start3A_176 : memref<1x128xi32, #tpu.memory_space<vmem>> -> memref<128xi32, #tpu.memory_space<vmem>>
        %dma_start3A_178 = arith.constant 0 : i32
        %dma_start3A_179 = arith.constant 0 : i32
        %dma_start3A_180 = tpu.memref_slice %arg10[%dma_start3A_178, %dma_start3A_179] : memref<10112x128xf32, #tpu.memory_space<vmem_shared>> -> memref<10112x128xf32, #tpu.memory_space<vmem_shared>>
        tpu.enqueue_indirect_dma source(%dma_start3A_174 : memref<128x128xf32, #tpu.memory_space<vmem>>) target(%dma_start3A_180 : memref<10112x128xf32, #tpu.memory_space<vmem_shared>>) offsets(%dma_start3A_177 : memref<128xi32, #tpu.memory_space<vmem>>) semaphore(%run_scoped3A_170 : memref<!tpu.dma_semaphore, #tpu.memory_space<semaphore_mem>>) {add = true}
        %dma_wait3A_181 = arith.constant 0 : i32
        %dma_wait3A_182 = arith.constant 0 : i32
        %dma_wait3A_183 = tpu.memref_slice %arg9[%run_scoped3A_162, %dma_wait3A_181, %dma_wait3A_182] : memref<2x128x128xf32, #tpu.memory_space<vmem>> -> memref<1x128x128xf32, #tpu.memory_space<vmem>>
        %dma_wait3A_184 = tpu.memref_squeeze %dma_wait3A_183 : memref<1x128x128xf32, #tpu.memory_space<vmem>> -> memref<128x128xf32, #tpu.memory_space<vmem>>
        %dma_wait3A_185 = arith.constant 0 : i32
        %dma_wait3A_186 = tpu.memref_slice %arg8[%add3A_150, %dma_wait3A_185] : memref<40x128xi32, #tpu.memory_space<vmem>> -> memref<1x128xi32, #tpu.memory_space<vmem>>
        %dma_wait3A_187 = tpu.memref_squeeze %dma_wait3A_186 : memref<1x128xi32, #tpu.memory_space<vmem>> -> memref<128xi32, #tpu.memory_space<vmem>>
        %dma_wait3A_188 = arith.constant 0 : i32
        %dma_wait3A_189 = arith.constant 0 : i32
        %dma_wait3A_190 = tpu.memref_slice %arg10[%dma_wait3A_188, %dma_wait3A_189] : memref<10112x128xf32, #tpu.memory_space<vmem_shared>> -> memref<10112x128xf32, #tpu.memory_space<vmem_shared>>
        tpu.wait_indirect_dma semaphore(%run_scoped3A_170 : memref<!tpu.dma_semaphore, #tpu.memory_space<semaphore_mem>>) src(%dma_wait3A_184 : memref<128x128xf32, #tpu.memory_space<vmem>>) dst(%dma_wait3A_190 : memref<10112x128xf32, #tpu.memory_space<vmem_shared>>)
        tpu.yield
      }) : () -> ()
      %add3A_163 = arith.constant 2 : i32
      %add3A_164 = arith.addi %add3A_150, %add3A_163 : i32
      %lt3A_165 = arith.constant 40 : i32
      %lt3A_166 = arith.cmpi slt, %add3A_164, %lt3A_165 : i32
      %convert_element_type3A_167 = arith.extui %lt3A_166 : i1 to i32
      %cond3A_168 = arith.constant 0 : i32
      %cond3A_169 = arith.cmpi ne, %convert_element_type3A_167, %cond3A_168 : i32
      scf.if %cond3A_169 {
        %add3A_170 = arith.constant 2 : i32
        %add3A_171 = arith.addi %add3A_150, %add3A_170 : i32
        %dma_start3A_172 = arith.constant 1 : i32
        %dma_start3A_173 = arith.constant 0 : i32
        %dma_start3A_174 = arith.constant 0 : i32
        %dma_start3A_175 = tpu.memref_slice %arg9[%dma_start3A_172, %dma_start3A_173, %dma_start3A_174] : memref<2x128x128xf32, #tpu.memory_space<vmem>> -> memref<1x128x128xf32, #tpu.memory_space<vmem>>
        %dma_start3A_176 = tpu.memref_squeeze %dma_start3A_175 : memref<1x128x128xf32, #tpu.memory_space<vmem>> -> memref<128x128xf32, #tpu.memory_space<vmem>>
        %dma_start3A_177 = arith.constant 0 : i32
        %dma_start3A_178 = tpu.memref_slice %arg7[%add3A_171, %dma_start3A_177] : memref<40x128xi32, #tpu.memory_space<vmem>> -> memref<1x128xi32, #tpu.memory_space<vmem>>
        %dma_start3A_179 = tpu.memref_squeeze %dma_start3A_178 : memref<1x128xi32, #tpu.memory_space<vmem>> -> memref<128xi32, #tpu.memory_space<vmem>>
        %dma_start3A_180 = arith.constant 0 : i32
        %dma_start3A_181 = arith.constant 0 : i32
        %dma_start3A_182 = tpu.memref_slice %arg2[%dma_start3A_180, %dma_start3A_181] : memref<10000x128xf32, #tpu.memory_space<hbm>> -> memref<10000x128xf32, #tpu.memory_space<hbm>>
        tpu.enqueue_indirect_dma source(%dma_start3A_182 : memref<10000x128xf32, #tpu.memory_space<hbm>>) target(%dma_start3A_176 : memref<128x128xf32, #tpu.memory_space<vmem>>) offsets(%dma_start3A_179 : memref<128xi32, #tpu.memory_space<vmem>>) semaphore(%arg11 : memref<!tpu.dma_semaphore, #tpu.memory_space<semaphore_mem>>)
      } else {
      }
    }
    %scan3A_121 = arith.constant 20 : i32
    %barrier3A_122 = arith.constant 0 : index
    tpu.barrier barrier_id(%barrier3A_122)
    %mul3A_123 = arith.constant 632 : i32
    %mul3A_124 = arith.muli %arg1, %mul3A_123 : i32
    %mul3A_125 = arith.constant 632 : i32
    %mul3A_126 = arith.muli %arg1, %mul3A_125 : i32
    "tpu.region"() ({
      %run_scoped3A = tpu.sem_alloc : memref<!tpu.dma_semaphore, #tpu.memory_space<semaphore_mem>>
      %dma_start3A_127 = arith.constant 0 : i32
      %dma_start3A_128 = tpu.memref_slice %arg6[%arg0, %mul3A_126, %dma_start3A_127] : memref<2x10112x128xf32, #tpu.memory_space<hbm>> -> memref<1x632x128xf32, #tpu.memory_space<hbm>>
      %dma_start3A_129 = tpu.memref_squeeze %dma_start3A_128 : memref<1x632x128xf32, #tpu.memory_space<hbm>> -> memref<632x128xf32, #tpu.memory_space<hbm>>
      %dma_start3A_130 = arith.constant 0 : i32
      %dma_start3A_131 = tpu.memref_slice %arg10[%mul3A_124, %dma_start3A_130] : memref<10112x128xf32, #tpu.memory_space<vmem_shared>> -> memref<632x128xf32, #tpu.memory_space<vmem_shared>>
      tpu.enqueue_dma source(%dma_start3A_131 : memref<632x128xf32, #tpu.memory_space<vmem_shared>>) target(%dma_start3A_129 : memref<632x128xf32, #tpu.memory_space<hbm>>) target_semaphore(%run_scoped3A : memref<!tpu.dma_semaphore, #tpu.memory_space<semaphore_mem>>)
      %dma_wait3A_132 = arith.constant 0 : i32
      %dma_wait3A_133 = tpu.memref_slice %arg6[%arg0, %mul3A_126, %dma_wait3A_132] : memref<2x10112x128xf32, #tpu.memory_space<hbm>> -> memref<1x632x128xf32, #tpu.memory_space<hbm>>
      %dma_wait3A_134 = tpu.memref_squeeze %dma_wait3A_133 : memref<1x632x128xf32, #tpu.memory_space<hbm>> -> memref<632x128xf32, #tpu.memory_space<hbm>>
      %dma_wait3A_135 = arith.constant 0 : i32
      %dma_wait3A_136 = tpu.memref_slice %arg10[%mul3A_124, %dma_wait3A_135] : memref<10112x128xf32, #tpu.memory_space<vmem_shared>> -> memref<632x128xf32, #tpu.memory_space<vmem_shared>>
      tpu.wait_dma2 semaphore(%run_scoped3A : memref<!tpu.dma_semaphore, #tpu.memory_space<semaphore_mem>>) src(%dma_wait3A_136 : memref<632x128xf32, #tpu.memory_space<vmem_shared>>) dst(%dma_wait3A_134 : memref<632x128xf32, #tpu.memory_space<hbm>>)
      tpu.yield
    }) : () -> ()
    return
  }
}

module attributes {stable_mosaic.version = 14 : i64} {
  func.func @_tc_linear_body(%arg0: i32, %arg1: memref<1000x128xf32, #tpu.memory_space<vmem>>, %arg2: memref<1000x128xf32, #tpu.memory_space<vmem>>, %arg3: memref<1000x128xf32, #tpu.memory_space<vmem>>, %arg4: memref<128x128xf32, #tpu.memory_space<vmem>>, %arg5: memref<1x128xf32, #tpu.memory_space<vmem>>, %arg6: memref<1000x128xf32, #tpu.memory_space<vmem>>) attributes {dimension_semantics = [#tpu.dimension_semantics<arbitrary>], iteration_bounds = array<i64: 10>, scalar_prefetch = 0 : i64, scratch_operands = 0 : i64, tpu.core_type = #tpu.core_type<tc>, window_params = [{transform_indices = @transform_0, window_bounds = array<i64: 1000, 128>}, {transform_indices = @transform_1, window_bounds = array<i64: 1000, 128>}, {transform_indices = @transform_2, window_bounds = array<i64: 1000, 128>}, {pipeline_mode = #tpu.pipeline_mode<synchronous>, transform_indices = @transform_3, window_bounds = array<i64: 128, 128>}, {pipeline_mode = #tpu.pipeline_mode<synchronous>, transform_indices = @transform_4, window_bounds = array<i64: 1, 128>}, {transform_indices = @transform_5, window_bounds = array<i64: 1000, 128>}]} {
    %get3A = arith.constant 0 : index
    %get3A_0 = arith.constant 0 : index
    %get3A_1 = vector.load %arg1[%get3A, %get3A_0] : memref<1000x128xf32, #tpu.memory_space<vmem>>, vector<1000x128xf32>
    %get3A_2 = arith.constant 0 : index
    %get3A_3 = arith.constant 0 : index
    %get3A_4 = vector.load %arg2[%get3A_2, %get3A_3] : memref<1000x128xf32, #tpu.memory_space<vmem>>, vector<1000x128xf32>
    %add3A = arith.addf %get3A_1, %get3A_4 : vector<1000x128xf32>
    %get3A_5 = arith.constant 0 : index
    %get3A_6 = arith.constant 0 : index
    %get3A_7 = vector.load %arg3[%get3A_5, %get3A_6] : memref<1000x128xf32, #tpu.memory_space<vmem>>, vector<1000x128xf32>
    %add3A_8 = arith.addf %add3A, %get3A_7 : vector<1000x128xf32>
    %get3A_9 = arith.constant 0 : index
    %get3A_10 = arith.constant 0 : index
    %get3A_11 = vector.load %arg4[%get3A_9, %get3A_10] : memref<128x128xf32, #tpu.memory_space<vmem>>, vector<128x128xf32>
    %dot_general3A = arith.constant dense<0.000000e+00> : vector<1000x128xf32>
    %dot_general3A_12 = tpu.matmul %add3A_8, %get3A_11, %dot_general3A {dimension_numbers = #tpu.dot_dimension_numbers<[1], [1], [0], [0], [0, 0, 1, 0], [], []>, transpose_lhs_hint = false} : vector<1000x128xf32>, vector<128x128xf32>, vector<1000x128xf32> -> vector<1000x128xf32>
    %get3A_13 = arith.constant 0 : index
    %get3A_14 = arith.constant 0 : index
    %get3A_15 = vector.load %arg5[%get3A_13, %get3A_14] : memref<1x128xf32, #tpu.memory_space<vmem>>, vector<1x128xf32>
    %add3A_16 = vector.broadcast %get3A_15 : vector<1x128xf32> to vector<1000x128xf32>
    %add3A_17 = arith.addf %dot_general3A_12, %add3A_16 : vector<1000x128xf32>
    %logistic3A = arith.negf %add3A_17 : vector<1000x128xf32>
    %logistic3A_18 = math.exp %logistic3A : vector<1000x128xf32>
    %logistic3A_19 = arith.constant 1.000000e+00 : f32
    %logistic3A_20 = vector.broadcast %logistic3A_19 : f32 to vector<1000x128xf32>
    %logistic3A_21 = arith.addf %logistic3A_20, %logistic3A_18 : vector<1000x128xf32>
    %logistic3A_22 = arith.divf %logistic3A_20, %logistic3A_21 : vector<1000x128xf32>
    %mul3A = arith.mulf %add3A_17, %logistic3A_22 : vector<1000x128xf32>
    %swap3A = arith.constant 0 : index
    %swap3A_23 = arith.constant 0 : index
    %swap3A_24 = vector.load %arg6[%swap3A, %swap3A_23] : memref<1000x128xf32, #tpu.memory_space<vmem>>, vector<1000x128xf32>
    tpu.vector_store %arg6[%swap3A, %swap3A_23], %mul3A {strides = array<i32>} : memref<1000x128xf32, #tpu.memory_space<vmem>>, vector<1000x128xf32>,
    return
  }
  func.func @transform_0(%arg0: i32) -> (i32, i32) {
    %c0_i32 = arith.constant 0 : i32
    %c0_i32_0 = arith.constant 0 : i32
    return %arg0, %c0_i32 : i32, i32
  }
  func.func @transform_1(%arg0: i32) -> (i32, i32) {
    %c0_i32 = arith.constant 0 : i32
    %c0_i32_0 = arith.constant 0 : i32
    return %arg0, %c0_i32 : i32, i32
  }
  func.func @transform_2(%arg0: i32) -> (i32, i32) {
    %c0_i32 = arith.constant 0 : i32
    %c0_i32_0 = arith.constant 0 : i32
    return %arg0, %c0_i32 : i32, i32
  }
  func.func @transform_3(%arg0: i32) -> (i32, i32) {
    %c0_i32 = arith.constant 0 : i32
    %c0_i32_0 = arith.constant 0 : i32
    %c0_i32_1 = arith.constant 0 : i32
    return %c0_i32, %c0_i32_0 : i32, i32
  }
  func.func @transform_4(%arg0: i32) -> (i32, i32) {
    %c0_i32 = arith.constant 0 : i32
    %c0_i32_0 = arith.constant 0 : i32
    %c0_i32_1 = arith.constant 0 : i32
    return %c0_i32, %c0_i32_0 : i32, i32
  }
  func.func @transform_5(%arg0: i32) -> (i32, i32) {
    %c0_i32 = arith.constant 0 : i32
    %c0_i32_0 = arith.constant 0 : i32
    return %arg0, %c0_i32 : i32, i32
  }
}

</mosaic_0001>

<sc_bundles>
// kernel: kernel.4.cloned.1.call-start
scs
__scs_entry_jumppad:
0x0: {  	(pc) =	sbr.rel $0x88, $3  }
0x1: {  	(tag) =	ssettag $0x0;
	lr =	simm.s32 $0x1  }
0x2: {  	[smem:$0x3F9D] =	sst lr;
	_ =	strace $0xD0000000  }
0x3: {  	_ = 	snop  }
0x4: {  	_ = 	snop  }
0x5: {  	_ = 	snop  }
0x6: {  	_ = 	snop  }
0x7: {  	_ = 	snop  }
__scs_overlays_trampoline_lowered:
0x8: {  	[smem:$0x3FAC] =	sst s0  }
0x9: {  	[smem:$0x3FAD] =	sst s1  }
0xa: {  	[smem:$0x3FAE] =	sst s2  }
0xb: {  	[smem:$0x3FAF] =	sst s3  }
0xc: {  	[smem:$0x3FB0] =	sst s4  }
0xd: {  	[smem:$0x3FB1] =	sst s5  }
0xe: {  	[smem:$0x3FB2] =	sst s6  }
0xf: {  	[smem:$0x3FB3] =	sst s7  }
0x10: {  	[smem:$0x3FB4] =	sst s8  }
0x11: {  	[smem:$0x3FB5] =	sst s9;
	s0 =	simm.s32 @!p0 $0x0  }
0x12: {  	s1 =	sld [smem:$0x3F9B];
	s0 =	simm.s32 @p0 $0x1  }
0x13: {  	[smem:$0x3FB6] =	sst s0;
	s0 =	simm.s32 @!p1 $0x0  }
0x14: {  	s2 =	sld [smem:$0x3F9A];
	s0 =	simm.s32 @p1 $0x1  }
0x15: {  	[smem:$0x3FB7] =	sst s0;
	s0 =	simm.s32 @!p2 $0x0  }
0x16: {  	s3 =	sld [smem:$0x3FDB];
	s0 =	simm.s32 @p2 $0x1  }
0x17: {  	s4 =	simm.s32 $0x1BF5;
	[smem:$0x3FB9] =	sst s0  }
0x18: {  	s0 =	sld [smem:$0x3F9C];
	_ =	swait.ge [sflag:s4], $0x0  }
0x19: {  	s7 =	sld [smem:$0x3F9D]  }
0x1a: {  	s8 =	sadd.s32 $0xFFFFE003, lr  }
0x1b: {  	s9 =	sadd.s32 $0xFFFFFEF7, lr;
	s5 =	simm.s32 $0xFFFFFFFF;
	p2 =	slt.u32 s8, $0xFFFFF086  }
0x1c: {  	p1 =	slt.u32 s9, $0xF7A;
	s5 =	simm.s32 @!p2 $0x0  }
0x1d: {  	s5 =	simm.s32 @p1 $0x1;
	p0 =	seq.s32 s7, s2  }
0x1e: {  	s7 =	smul.u32 @!p0 $0xF7A, s2;
	p2 =	seq.s32 @!p0 s5, $0x0  }
0x1f: {  	s9 =	smul.u32 $0xF7A, s1;
	s8 =	simm.s32 @!p0 $0x1BF5;
	p2 =	por !p2, p0  }
0x20: {  	[sflag:s8] =	ssyncset.s32 @!p0 $0xFFFFF086;
	s6 =	sadd.s32 @!p0 s3, s7;
	s7 =	simm.s32 @!p0 $0x108  }
0x21: {  	s3 =	sadd.s32 s3, s9;
	s6 =	sadd.s32 @!p0 $0x88, s6;
	s7 =	simm.s32 @p2 $0x1082  }
0x22: {  	[simem:s7], [sflag:s8] =	dma.local @!p0 [hbm:s6], $0xF7A  }
0x23: {  	s9 =	sor.u32 $0xD0000000, s2;
	s6 =	simm.s32 $0x108;
	_ =	swait.ge @!p0 [sflag:s8], $0x0  }
0x24: {  	s3 =	sadd.s32 $0x88, s3;
	s6 =	simm.s32 @!p1 $0x1082;
	[sflag:s4] =	ssyncset.s32 $0xFFFFF086  }
0x25: {  	[simem:s6], [sflag:s4] =	dma.local [hbm:s3], $0xF7A  }
0x26: {  	[smem:$0x3F9D] =	sst s1;
	(tag) =	ssettag s2;
	_ =	strace s9  }
0x27: {  	s1 =	sld [smem:$0x3FAD]  }
0x28: {  	s2 =	sld [smem:$0x3FAE]  }
0x29: {  	s4 =	sld [smem:$0x3FB0]  }
0x2a: {  	p0 =	seq.s32 s5, $0x0;
	s5 =	sld [smem:$0x3FB1]  }
0x2b: {  	s6 =	sld [smem:$0x3FB2]  }
0x2c: {  	s7 =	sld [smem:$0x3FB3]  }
0x2d: {  	s3 =	simm.s32 $0x108;
	s8 =	sld [smem:$0x3FB4]  }
0x2e: {  	s3 =	simm.s32 @!p0 $0x1082;
	s9 =	sld [smem:$0x3FB5]  }
0x2f: {  	lr =	sadd.s32 s0, s3;
	s0 =	sld [smem:$0x3FAC]  }
0x30: {  	s3 =	sld [smem:$0x3FAF]  }
0x31: {  	[smem:$0x3FB8] =	sst s10  }
0x32: {  	s10 =	sld [smem:$0x3FB6];
	_ =	sdelay $0x3  }
0x33: {  	p0 =	seq.s32 s10, $0x1;
	s10 =	sld [smem:$0x3FB8];
	_ =	sdelay $0x3  }
0x34: {  	[smem:$0x3FB8] =	sst s10  }
0x35: {  	s10 =	sld [smem:$0x3FB7];
	_ =	sdelay $0x3  }
0x36: {  	p1 =	seq.s32 s10, $0x1;
	s10 =	sld [smem:$0x3FB8];
	_ =	sdelay $0x3  }
0x37: {  	[smem:$0x3FB8] =	sst s10  }
0x38: {  	s10 =	sld [smem:$0x3FB9]  }
0x39: {  	_ = 	snop;
	(pc) =	sbr.ind lr, $3  }
0x3a: {  	_ = 	snop  }
0x3b: {  	_ = 	snop  }
0x3c: {  	p2 =	seq.s32 s10, $0x1;
	s10 =	sld [smem:$0x3FB8]  }
0x3d: {  	_ =	shalt  }
0x3e: {  	_ =	shalt  }
0x3f: {  	_ =	shalt  }
0x40: {  	_ =	shalt  }
0x41: {  	_ =	shalt  }
0x42: {  	_ =	shalt  }
0x43: {  	_ =	shalt  }
0x44: {  	_ =	shalt  }
0x45: {  	_ =	shalt  }
0x46: {  	_ =	shalt  }
0x47: {  	_ =	shalt  }
0x48: {  	_ =	shalt  }
0x49: {  	_ =	shalt  }
0x4a: {  	_ =	shalt  }
0x4b: {  	_ =	shalt  }
0x4c: {  	_ =	shalt  }
0x4d: {  	_ =	shalt  }
0x4e: {  	_ =	shalt  }
0x4f: {  	_ =	shalt  }
0x50: {  	_ =	shalt  }
0x51: {  	_ =	shalt  }
0x52: {  	_ =	shalt  }
0x53: {  	_ =	shalt  }
0x54: {  	_ =	shalt  }
0x55: {  	_ =	shalt  }
0x56: {  	_ =	shalt  }
0x57: {  	_ =	shalt  }
0x58: {  	_ =	shalt  }
0x59: {  	_ =	shalt  }
0x5a: {  	_ =	shalt  }
0x5b: {  	_ =	shalt  }
0x5c: {  	_ =	shalt  }
0x5d: {  	_ =	shalt  }
0x5e: {  	_ =	shalt  }
0x5f: {  	_ =	shalt  }
0x60: {  	_ =	shalt  }
0x61: {  	_ =	shalt  }
0x62: {  	_ =	shalt  }
0x63: {  	_ =	shalt  }
0x64: {  	_ =	shalt  }
0x65: {  	_ =	shalt  }
0x66: {  	_ =	shalt  }
0x67: {  	_ =	shalt  }
0x68: {  	_ =	shalt  }
0x69: {  	_ =	shalt  }
0x6a: {  	_ =	shalt  }
0x6b: {  	_ =	shalt  }
0x6c: {  	_ =	shalt  }
0x6d: {  	_ =	shalt  }
0x6e: {  	_ =	shalt  }
0x6f: {  	_ =	shalt  }
0x70: {  	_ =	shalt  }
0x71: {  	_ =	shalt  }
0x72: {  	_ =	shalt  }
0x73: {  	_ =	shalt  }
0x74: {  	_ =	shalt  }
0x75: {  	_ =	shalt  }
0x76: {  	_ =	shalt  }
0x77: {  	_ =	shalt  }
0x78: {  	_ =	shalt  }
0x79: {  	_ =	shalt  }
0x7a: {  	_ =	shalt  }
0x7b: {  	_ =	shalt  }
0x7c: {  	_ =	shalt  }
0x7d: {  	_ =	shalt  }
0x7e: {  	_ =	shalt  }
0x7f: {  	_ =	shalt  }
0x80: {  	_ =	shalt  }
0x81: {  	_ =	shalt  }
0x82: {  	_ =	shalt  }
0x83: {  	_ =	shalt  }
0x84: {  	_ =	shalt  }
0x85: {  	_ =	shalt  }
0x86: {  	_ =	shalt  }
0x87: {  	_ =	shalt  }
.Lfunc_end0:
.L_simem_size_0:
called_computation_lowered:
.L_overlay_start_0:
0x88: {  	s2 =	sld [smem:$0x3FD9]  }
0x89: {  	s3 =	sld [smem:$0x3FFE];
	_ =	sdelay $0x1  }
0x8a: {  	s1 =	srdreg.scid  }
0x8b: {  	s0 =	sand.u32 $0x1, s1  }
0x8c: {  	s17 =	sshll.u32 s0, $0xA;
	s2 =	sadd.s32 s3, s2  }
0x8d: {  	s2 =	sadd.s32 s2, s17  }
0x8e: {  	[smem:$0x3FC4] =	sst s2  }
0x8f: {  	_ = 	snop  }
0x90: {  	s2 =	sld [smem:$0x3FC9]  }
0x91: {  	s18 =	sld [smem:$0x3FD0];
	(tm) =	ssettm $0x1  }
0x92: {  	s4 =	sld [smem:$0x3FFB];
	_ =	sdelay $0x3  }
0x93: {  	_ =	strace s4  }
0x94: {  	s4 =	sld [smem:$0x3FFC];
	_ =	sdelay $0x3  }
0x95: {  	_ =	strace s4  }
0x96: {  	s4 =	sld [smem:$0x3FFD];
	_ =	sdelay $0x3  }
0x97: {  	_ =	strace s4  }
0x98: {  	_ =	strace $0x8FFFFFFF  }
0x99: {  	s19 =	sld [smem:$0x3FDB];
	_ =	sdelay $0x1  }
0x9a: {  	s5 =	simm.s32 $_scs_section_size  }
0x9b: {  	s6 =	simm.s32 $_size__tile_overlayer_lowered;
	s7 =	simm.s32 $_tile_overlayer_lowered  }
0x9c: {  	s22 =	simm.s32 $0x1BFF;
	s21 =	sshll.u32 s7, $0x1;
	s4 =	sadd.s32 s5, s19  }
0x9d: {  	s8 =	simm.s32 $0x0;
	s20 =	sshll.u32 s6, $0x1;
	s6 =	sadd.s32 s21, s4  }
0x9e: {  	[timem:s8], [sflag:s22] =	dma.local [hbm:s6], s20  }
0x9f: {  	_ =	swait.ge [sflag:s22], s20  }
0xa0: {  	s5 =	ssub.s32 $0x0, s20;
	[sflag:s22] =	ssyncset.done $0x0  }
0xa1: {  	[sflag:s22] =	ssyncadd.s32 s5;
	_ =	sdelay $0x1  }
0xa2: {  	s23 =	simm.s32 $0x1B8B  }
0xa3: {  	_ =	swait.ge [sflag:s23], $0x1  }
0xa4: {  	[sflag:s23] =	ssyncset.done $0x0  }
0xa5: {  	s25 =	simm.s32 $0x1B8E;
	s24 =	sld [smem:$0x3FFE];
	[sflag:s23] =	ssyncadd.s32 $0xFFFFFFFF  }
0xa6: {  	s26 =	simm.s32 $execute0_lowered;
	[smem:$0x3FD2] =	sst s25  }
0xa7: {  	s6 =	sshll.u32 s26, $0x1;
	_ =	strace $0x80000046;
	[dreg:$0x1] =	wrdreg $0xFFFFFFFF  }
0xa8: {  	s28 =	simm.s32 $_size_execute0_lowered;
	s4 =	sadd.s32 s4, s6;
	[dreg:$0x0] =	wrdreg $0x0  }
0xa9: {  	s6 =	sshll.u32 s28, $0x1;
	[dreg:$0x2] =	wrdreg s4  }
0xaa: {  	[dreg:$0x3] =	wrdreg s6  }
0xab: {  	[dreg:$0x4] =	wrdreg $0xC0  }
0xac: {  	_ =	task [dreg:s8], $0x5FFFF  }
0xad: {  	[dreg:$0x1] =	wrdreg $0xFFFFFFFF  }
0xae: {  	[dreg:$0x0] =	wrdreg $0x60  }
0xaf: {  	[dreg:$0x2] =	wrdreg s2  }
0xb0: {  	[dreg:$0x3] =	wrdreg s18  }
0xb1: {  	[dreg:$0x4] =	wrdreg s24  }
0xb2: {  	[dreg:$0x5] =	wrdreg $0xA8000  }
0xb3: {  	[dreg:$0x6] =	wrdreg $0x9  }
0xb4: {  	_ =	task.clear_ibuf [dreg:s8], $0x7FFFF;
	_ =	strace $0x90000046  }
0xb5: {  	s29 =	simm.s32 $0x9;
	_ =	strace $0x80000048  }
0xb6: {  	_ =	swait.ge [sflag:s29], $0x1  }
0xb7: {  	[sflag:s29] =	ssyncadd.s32 $0xFFFFFFFF  }
0xb8: {  	_ =	strace $0x90000048  }
0xb9: {  	_ =	sfence  }
0xba: {  	s30 =	sld [smem:$0x0];
	_ =	sdelay $0x2  }
0xbb: {  	s31 =	sshll.u32 s1, $0xD;
	s1 =	sshrl.u32 s1, $0x2  }
0xbc: {  	s3 =	sand.u32 $0x4000, s31;
	s1 =	sadd.s32 s1, s30  }
0xbd: {  	s0 =	sor.u32 s3, s0;
	s1 =	sshll.u32 s1, $0x11  }
0xbe: {  	s0 =	sor.u32 s1, s0  }
0xbf: {  	s0 =	sadd.s32 $0x8F2B, s0  }
0xc0: {  	[sflag:s0] =	ssyncadd.remote.s32 $0x1  }
0xc1: {  	_ =	sfence.sel $0xFFFF  }
0xc2: {  	[dreg:$0x0] =	wrdreg $0xFFFFFFFF;
	(pc) =	sbr.abs _section_cstart, $3  }
0xc3: {  	[dreg:$0x1] =	wrdreg $0xFFFFFFFF  }
0xc4: {  	_ =	task.clear_ibuf [dreg:s8], $0x2FFFF;
	_ =	strace $0x9FFFFFFF  }
0xc5: {  	(tm) =	ssettm $0x7FFFFFFF  }
tec
execute0_lowered:
.L_overlay_start_1:
0x0: {  	(tag) =	ssettag $0x1  }
0x1: {  	s1 =	rddreg [dreg:$0x0]  }
0x2: {  	s10 =	rddreg [dreg:$0x1]  }
0x3: {  	s6 =	rddreg [dreg:$0x2]  }
0x4: {  	s2 =	rddreg [dreg:$0x3]  }
0x5: {  	s3 =	srdreg.scid;
	s0 =	rddreg [dreg:$0x4]  }
0x6: {  	s4 =	simm.s32 $0x0;
	s16 =	simm.s32 $0x2;
	s17 =	simm.s32 $0x80  }
0x7: {  	s18 =	simm.s32 $0x2800;
	s19 =	simm.s32 $0x6800;
	s20 =	simm.s32 $0x1  }
0x8: {  	s21 =	simm.s32 $0x2700;
	s22 =	simm.s32 $0x2780;
	s7 =	sand.u32 $0x1, s3  }
0x9: {  	s23 =	simm.s32 $0x0;
	s3 =	stileid.u32;
	s5 =	smul.u32 $0x13C000, s7  }
0xa: {  	[smem:$0x7FF] =	sst s4;
	s11 =	sadd.s32 $0xC00, s6;
	s8 =	smul.u32 $0x13C00, s3  }
0xb: {  	s9 =	sshll.u32 s7, $0x4;
	_ =	strace $0x80000047;
	s7 =	ssub.s32 $0x2, s7  }
0xc: {  	s13 =	smul.u32 $0x4F000, s3;
	s30 =	sshll.u32 s3, $0x6;
	s9 =	sor.u32 s3, s9  }
0xd: {  	s12 =	sshrl.u32 s7, $0x1;
	s8 =	sadd.s32 s8, s5;
	s9 =	smul.u32 $0x2800, s9  }
0xe: {  	s5 =	sadd.s32 $0xAC00, s6;
	s12 =	ssub.s32 s7, s12;
	s29 =	sshrl.u32 s13, $0x2  }
0xf: {  	s13 =	simm.s32 $0x1400;
	s8 =	sshrl.u32 s8, $0x3;
	s15 =	sadd.s32 s29, s2  }
0x10: {  	s12 =	smax.u32 s12, $0x1;
	s9 =	sshrl.u32 s9, $0x3;
	s14 =	sadd.s32 s8, s6  }
0x11: {  	s8 =	sor.u32 $0x1C03, s30;
	s6 =	sadd.s32 s11, s9;
	s31 =	sadd.s32 $0x280, s9  }
0x12: {  	s7 =	sadd.s32 s10, s9;
	s9 =	sadd.s32 s11, s31;
	s10 =	sadd.s32 s10, s31  }
0x13: {  	s11 =	sadd.s32 $0xD400, s14;
	s14 =	sshrl.u32 s15, $0x3;
	s15 =	simm.s32 $0x3  }
.LBB2_1:
0x14: {  	[tilespmem:s4], [sflag:$0x2] =	stream.linear.gather [hbm4b:s6+s4], $0x1400, $0x38;
	[tilespmem:$0x1E400] =	vst v63  }
0x15: {  	_ = 	snop  }
0x16: {  	[tilespmem:s13], [sflag:$0x2] =	stream.linear.gather [hbm4b:s7+s4], $0x1400, $0x38;
	[tilespmem:$0x1E400] =	vst v63  }
0x17: {  	[spmem:s14], [sflag:s8] =	dma.local [hbm:s5], $0x2780  }
0x18: {  	_ =	swait.ge [sflag:s15], $0x2780  }
0x19: {  	[sflag:s15] =	ssyncset.done $0x0  }
0x1a: {  	[sflag:s15] =	ssyncadd.s32 $0xFFFFD880  }
0x1b: {  	_ =	swait.ge [sflag:s16], $0x1400  }
0x1c: {  	[sflag:s16] =	ssyncset.done $0x0  }
0x1d: {  	[sflag:s16] =	ssyncadd.s32 $0xFFFFEC00  }
0x1e: {  	_ =	swait.ge [sflag:s16], $0x1400  }
0x1f: {  	[sflag:s16] =	ssyncset.done $0x0  }
0x20: {  	[sflag:s16] =	ssyncadd.s32 $0xFFFFEC00  }
0x21: {  	[bflag:$0x0] =	sbarrier.arrive $0xFFFF  }
0x22: {  	[tilespmem:s18], [sflag:$0x1] =	stream.indirect.gather [hbm4b:s1+s17], $0x80, s4, s17, $0xb8;
	[tilespmem:$0x1E400] =	vst v63  }
0x23: {  	_ = 	snop  }
0x24: {  	[tilespmem:s19], [sflag:$0x1] =	stream.indirect.gather [hbm4b:s1+s17], $0x80, s17, s17, $0xb8;
	[tilespmem:$0x1E400] =	vst v63  }
0x25: {  	_ =	swait.ge [sflag:s20], $0x4000  }
0x26: {  	[sflag:s20] =	ssyncset.done $0x0  }
0x27: {  	s24 =	simm.s32 $0x1400;
	[sflag:s20] =	ssyncadd.s32 $0xFFFFC000  }
0x28: {  	[spmem:s2] =	stream.indirect.scatter.add.f32 [tilespmem:s18], [sflag:$0x3], $0x80, s24, s17, $0xb8;
	[tilespmem:$0x1E400] =	vst v63  }
0x29: {  	_ =	swait.ge [sflag:s15], $0x4000  }
0x2a: {  	[sflag:s15] =	ssyncset.done $0x0  }
0x2b: {  	s30 =	simm.s32 $0x100;
	[sflag:s15] =	ssyncadd.s32 $0xFFFFC000  }
0x2c: {  	[tilespmem:s18], [sflag:$0x1] =	stream.indirect.gather [hbm4b:s1+s17], $0x80, s30, s17, $0xb8;
	[tilespmem:$0x1E400] =	vst v63  }
0x2d: {  	_ =	swait.ge [sflag:s20], $0x4000  }
0x2e: {  	[sflag:s20] =	ssyncset.done $0x0  }
0x2f: {  	s31 =	simm.s32 $0x1480;
	[sflag:s20] =	ssyncadd.s32 $0xFFFFC000  }
0x30: {  	[spmem:s2] =	stream.indirect.scatter.add.f32 [tilespmem:s19], [sflag:$0x3], $0x80, s31, s17, $0xb8;
	[tilespmem:$0x1E400] =	vst v63  }
0x31: {  	_ =	swait.ge [sflag:s15], $0x4000  }
0x32: {  	[sflag:s15] =	ssyncset.done $0x0  }
0x33: {  	s25 =	simm.s32 $0x180;
	s24 =	simm.s32 $0x400;
	[sflag:s15] =	ssyncadd.s32 $0xFFFFC000  }
.LBB2_2:
0x34: {  	[tilespmem:s19], [sflag:$0x1] =	stream.indirect.gather [hbm4b:s1+s17], $0x80, s25, s17, $0xb8;
	[tilespmem:$0x1E400] =	vst v63  }
0x35: {  	s25 =	smov.u32 s24  }
0x36: {  	p0 =	sne.s32 s24, $0x4800;
	s24 =	sadd.s32 $0x400, s24;
	_ =	swait.ge [sflag:s20], $0x4000  }
0x37: {  	s25 =	sshra.s32 s25, $0x2;
	[sflag:s20] =	ssyncset.done $0x0  }
0x38: {  	s26 =	sadd.s32 $0x1400, s25;
	[sflag:s20] =	ssyncadd.s32 $0xFFFFC000  }
0x39: {  	[spmem:s2] =	stream.indirect.scatter.add.f32 [tilespmem:s18], [sflag:$0x3], $0x80, s26, s17, $0xb8;
	[tilespmem:$0x1E400] =	vst v63  }
0x3a: {  	_ =	swait.ge [sflag:s15], $0x4000  }
0x3b: {  	[sflag:s15] =	ssyncset.done $0x0  }
0x3c: {  	s26 =	sadd.s32 $0x100, s25;
	[sflag:s15] =	ssyncadd.s32 $0xFFFFC000  }
0x3d: {  	[tilespmem:s18], [sflag:$0x1] =	stream.indirect.gather [hbm4b:s1+s17], $0x80, s26, s17, $0xb8;
	[tilespmem:$0x1E400] =	vst v63  }
0x3e: {  	_ =	swait.ge [sflag:s20], $0x4000  }
0x3f: {  	[sflag:s20] =	ssyncset.done $0x0  }
.Ltmp0:
0x40: {  	s26 =	sadd.s32 $0x1480, s25;
	[sflag:s20] =	ssyncadd.s32 $0xFFFFC000;
	(pc) =	sbr.rel @p0 .LBB2_2-.Ltmp0, $4  }
0x41: {  	[spmem:s2] =	stream.indirect.scatter.add.f32 [tilespmem:s19], [sflag:$0x3], $0x80, s26, s17, $0xb8;
	[tilespmem:$0x1E400] =	vst v63  }
0x42: {  	_ =	swait.ge [sflag:s15], $0x4000  }
0x43: {  	[sflag:s15] =	ssyncset.done $0x0  }
0x44: {  	s25 =	sadd.s32 $0x180, s25;
	[sflag:s15] =	ssyncadd.s32 $0xFFFFC000  }
0x45: {  	[tilespmem:s19], [sflag:$0x1] =	stream.indirect.gather [hbm4b:s1+s17], $0x80, s25, s17, $0xb8;
	[tilespmem:$0x1E400] =	vst v63  }
0x46: {  	_ =	swait.ge [sflag:s20], $0x4000  }
0x47: {  	[sflag:s20] =	ssyncset.done $0x0  }
0x48: {  	[sflag:s20] =	ssyncadd.s32 $0xFFFFC000  }
0x49: {  	[spmem:s2] =	stream.indirect.scatter.add.f32 [tilespmem:s18], [sflag:$0x3], $0x80, s21, s17, $0xb8;
	[tilespmem:$0x1E400] =	vst v63  }
0x4a: {  	_ =	swait.ge [sflag:s15], $0x4000  }
0x4b: {  	[sflag:s15] =	ssyncset.done $0x0  }
0x4c: {  	[sflag:s15] =	ssyncadd.s32 $0xFFFFC000  }
0x4d: {  	_ =	swait.ge [sflag:s20], $0x4000  }
0x4e: {  	[sflag:s20] =	ssyncset.done $0x0  }
0x4f: {  	[sflag:s20] =	ssyncadd.s32 $0xFFFFC000  }
0x50: {  	[spmem:s2] =	stream.indirect.scatter.add.f32 [tilespmem:s19], [sflag:$0x3], $0x80, s22, s17, $0xb8;
	[tilespmem:$0x1E400] =	vst v63  }
0x51: {  	_ =	swait.ge [sflag:s15], $0x4000  }
0x52: {  	[sflag:s15] =	ssyncset.done $0x0  }
0x53: {  	s24 =	simm.s32 $0x0;
	[sflag:s15] =	ssyncadd.s32 $0xFFFFC000  }
0x54: {  	[tilespmem:s24], [sflag:$0x2] =	stream.linear.gather [hbm4b:s9+s24], $0x1400, $0x38;
	[tilespmem:$0x1E400] =	vst v63  }
0x55: {  	_ = 	snop  }
0x56: {  	[tilespmem:s13], [sflag:$0x2] =	stream.linear.gather [hbm4b:s10+s24], $0x1400, $0x38;
	[tilespmem:$0x1E400] =	vst v63  }
0x57: {  	_ =	swait.ge [sflag:s16], $0x1400  }
0x58: {  	[sflag:s16] =	ssyncset.done $0x0  }
0x59: {  	[sflag:s16] =	ssyncadd.s32 $0xFFFFEC00  }
0x5a: {  	_ =	swait.ge [sflag:s16], $0x1400  }
0x5b: {  	[sflag:s16] =	ssyncset.done $0x0  }
0x5c: {  	[sflag:s16] =	ssyncadd.s32 $0xFFFFEC00  }
0x5d: {  	[tilespmem:s18], [sflag:$0x1] =	stream.indirect.gather [hbm4b:s1+s17], $0x80, s24, s17, $0xb8;
	[tilespmem:$0x1E400] =	vst v63  }
0x5e: {  	_ = 	snop  }
0x5f: {  	[tilespmem:s19], [sflag:$0x1] =	stream.indirect.gather [hbm4b:s1+s17], $0x80, s17, s17, $0xb8;
	[tilespmem:$0x1E400] =	vst v63  }
0x60: {  	_ =	swait.ge [sflag:s20], $0x4000  }
0x61: {  	[sflag:s20] =	ssyncset.done $0x0  }
0x62: {  	s29 =	simm.s32 $0x1400;
	[sflag:s20] =	ssyncadd.s32 $0xFFFFC000  }
0x63: {  	[spmem:s2] =	stream.indirect.scatter.add.f32 [tilespmem:s18], [sflag:$0x3], $0x80, s29, s17, $0xb8;
	[tilespmem:$0x1E400] =	vst v63  }
0x64: {  	_ =	swait.ge [sflag:s15], $0x4000  }
0x65: {  	[sflag:s15] =	ssyncset.done $0x0  }
0x66: {  	s30 =	simm.s32 $0x100;
	[sflag:s15] =	ssyncadd.s32 $0xFFFFC000  }
0x67: {  	[tilespmem:s18], [sflag:$0x1] =	stream.indirect.gather [hbm4b:s1+s17], $0x80, s30, s17, $0xb8;
	[tilespmem:$0x1E400] =	vst v63  }
0x68: {  	_ =	swait.ge [sflag:s20], $0x4000  }
0x69: {  	[sflag:s20] =	ssyncset.done $0x0  }
0x6a: {  	s31 =	simm.s32 $0x1480;
	[sflag:s20] =	ssyncadd.s32 $0xFFFFC000  }
0x6b: {  	[spmem:s2] =	stream.indirect.scatter.add.f32 [tilespmem:s19], [sflag:$0x3], $0x80, s31, s17, $0xb8;
	[tilespmem:$0x1E400] =	vst v63  }
0x6c: {  	_ =	swait.ge [sflag:s15], $0x4000  }
0x6d: {  	[sflag:s15] =	ssyncset.done $0x0  }
0x6e: {  	s25 =	simm.s32 $0x180;
	s24 =	simm.s32 $0x400;
	[sflag:s15] =	ssyncadd.s32 $0xFFFFC000  }
.LBB2_4:
0x6f: {  	[tilespmem:s19], [sflag:$0x1] =	stream.indirect.gather [hbm4b:s1+s17], $0x80, s25, s17, $0xb8;
	[tilespmem:$0x1E400] =	vst v63  }
0x70: {  	s25 =	smov.u32 s24  }
0x71: {  	p0 =	sne.s32 s24, $0x4800;
	s24 =	sadd.s32 $0x400, s24;
	_ =	swait.ge [sflag:s20], $0x4000  }
0x72: {  	s25 =	sshra.s32 s25, $0x2;
	[sflag:s20] =	ssyncset.done $0x0  }
0x73: {  	s26 =	sadd.s32 $0x1400, s25;
	[sflag:s20] =	ssyncadd.s32 $0xFFFFC000  }
0x74: {  	[spmem:s2] =	stream.indirect.scatter.add.f32 [tilespmem:s18], [sflag:$0x3], $0x80, s26, s17, $0xb8;
	[tilespmem:$0x1E400] =	vst v63  }
0x75: {  	_ =	swait.ge [sflag:s15], $0x4000  }
0x76: {  	[sflag:s15] =	ssyncset.done $0x0  }
0x77: {  	s26 =	sadd.s32 $0x100, s25;
	[sflag:s15] =	ssyncadd.s32 $0xFFFFC000  }
0x78: {  	[tilespmem:s18], [sflag:$0x1] =	stream.indirect.gather [hbm4b:s1+s17], $0x80, s26, s17, $0xb8;
	[tilespmem:$0x1E400] =	vst v63  }
0x79: {  	_ =	swait.ge [sflag:s20], $0x4000  }
0x7a: {  	[sflag:s20] =	ssyncset.done $0x0  }
.Ltmp1:
0x7b: {  	s26 =	sadd.s32 $0x1480, s25;
	[sflag:s20] =	ssyncadd.s32 $0xFFFFC000;
	(pc) =	sbr.rel @p0 .LBB2_4-.Ltmp1, $4  }
0x7c: {  	[spmem:s2] =	stream.indirect.scatter.add.f32 [tilespmem:s19], [sflag:$0x3], $0x80, s26, s17, $0xb8;
	[tilespmem:$0x1E400] =	vst v63  }
0x7d: {  	_ =	swait.ge [sflag:s15], $0x4000  }
0x7e: {  	[sflag:s15] =	ssyncset.done $0x0  }
0x7f: {  	s25 =	sadd.s32 $0x180, s25;
	[sflag:s15] =	ssyncadd.s32 $0xFFFFC000  }
0x80: {  	[tilespmem:s19], [sflag:$0x1] =	stream.indirect.gather [hbm4b:s1+s17], $0x80, s25, s17, $0xb8;
	[tilespmem:$0x1E400] =	vst v63  }
0x81: {  	_ =	swait.ge [sflag:s20], $0x4000  }
0x82: {  	[sflag:s20] =	ssyncset.done $0x0  }
0x83: {  	[sflag:s20] =	ssyncadd.s32 $0xFFFFC000  }
0x84: {  	[spmem:s2] =	stream.indirect.scatter.add.f32 [tilespmem:s18], [sflag:$0x3], $0x80, s21, s17, $0xb8;
	[tilespmem:$0x1E400] =	vst v63  }
0x85: {  	_ =	swait.ge [sflag:s15], $0x4000  }
0x86: {  	[sflag:s15] =	ssyncset.done $0x0  }
0x87: {  	[sflag:s15] =	ssyncadd.s32 $0xFFFFC000  }
0x88: {  	_ =	swait.ge [sflag:s20], $0x4000  }
0x89: {  	[sflag:s20] =	ssyncset.done $0x0  }
0x8a: {  	[sflag:s20] =	ssyncadd.s32 $0xFFFFC000  }
0x8b: {  	[spmem:s2] =	stream.indirect.scatter.add.f32 [tilespmem:s19], [sflag:$0x3], $0x80, s22, s17, $0xb8;
	[tilespmem:$0x1E400] =	vst v63  }
0x8c: {  	_ =	swait.ge [sflag:s15], $0x4000  }
0x8d: {  	s23 =	sadd.s32 $0x1, s23;
	[sflag:s15] =	ssyncset.done $0x0  }
0x8e: {  	p0 =	sne.s32 s23, s12;
	[sflag:s15] =	ssyncadd.s32 $0xFFFFC000  }
.Ltmp2:
0x8f: {  	[bflag:$0x0] =	sbarrier.arrive $0xFFFF;
	(pc) =	sbr.rel @p0 .LBB2_1-.Ltmp2, $4  }
0x90: {  	[hbm:s11], [sflag:s8] =	dma.local [spmem:s14], $0x2780  }
0x91: {  	_ =	swait.ge [sflag:s15], $0x2780  }
0x92: {  	[sflag:s15] =	ssyncset.done $0x0  }
0x93: {  	[sflag:s15] =	ssyncadd.s32 $0xFFFFD880  }
0x94: {  	_ =	sfence.sel $0x180000  }
0x95: {  	[bflag:$0x0] =	sbarrier.arrive $0xFFFF  }
0x96: {  	p0 =	sne.s32 s3, $0x0;
	_ =	strace $0x90000047  }
0x97: {  	s0 =	sadd.s32 @!p0 $0x100000, s0;
	[bflag:$0x2] =	sbarrier.arrive $0xFFFF  }
0x98: {  	[sflag:s0] =	ssyncadd.tile.s32 @!p0 $0x1;
	_ =	shalt  }
.Lfunc_end2:
_tile_overlayer_lowered:
.L_overlay_start_2:
0x99: {  	(tag) =	ssettag $0x2  }
0x9a: {  	s0 =	rddreg [dreg:$0x0];
	s2 =	stileid.u32  }
0x9b: {  	s1 =	rddreg [dreg:$0x1];
	p0 =	sne.s32 s2, $0x0  }
0x9c: {  	s3 =	rddreg [dreg:$0x2];
	[bflag:$0x3] =	sbarrier.arrive $0xFFFF;
	s2 =	simm.s32 @!p0 $0x1C03  }
0x9d: {  	[timem:s3], [sflag:s2] =	dma.local @!p0 [hbm:s0], s1  }
0x9e: {  	s0 =	simm.s32 @!p0 $0x3  }
0x9f: {  	_ =	swait.ge @!p0 [sflag:s0], s1  }
0xa0: {  	s1 =	ssub.s32 @!p0 $0x0, s1;
	[sflag:s0] =	ssyncset.done @!p0 $0x0  }
0xa1: {  	[sflag:s0] =	ssyncadd.s32 @!p0 s1  }
0xa2: {  	[bflag:$0x3] =	sbarrier.arrive $0xFFFF  }
0xa3: {  	_ =	shalt  }

</sc_bundles>
